<compile_context>
chip_gen: v7x
topology: tpu7x:2x2x1
jax: 0.10.2.dev20260603
libtpu: 0.0.44.dev20260713+nightly
codegen_flags: <defaults>
</compile_context>

<pallas_src>
import functools
import jax
import jax.numpy as jnp
from jax import lax
from jax.experimental import pallas as pl
from jax.experimental.pallas import tpu as pltpu
from jax.experimental.pallas import tpu_sc as plsc

NC = 2
NS = 16
NW = NC * NS
GROUP = 128
BLK = 4


@functools.partial(jax.jit, static_argnums=(2, 3))
def _gather(table, idx2d, n_rows, d):
  n_table = table.shape[0]
  rows_per_w = n_rows // NW
  nb = rows_per_w // BLK
  assert rows_per_w % BLK == 0 and nb % 2 == 0 and nb >= 4

  mesh = plsc.VectorSubcoreMesh(core_axis_name="c", subcore_axis_name="s")

  @functools.partial(
      pl.kernel,
      out_type=jax.ShapeDtypeStruct((n_rows, GROUP, d), jnp.float32),
      mesh=mesh,
      compiler_params=pltpu.CompilerParams(use_tc_tiling_on_sc=False),
      scratch_types=[
          pltpu.VMEM((2, BLK, GROUP), jnp.int32),
          pltpu.VMEM((2, BLK, GROUP, d), jnp.float32),
          pltpu.VMEM_SHARED((n_table, d), jnp.float32),
          pltpu.SemaphoreType.DMA,
          pltpu.SemaphoreType.DMA,
          pltpu.SemaphoreType.DMA,
          pltpu.SemaphoreType.DMA,
          pltpu.SemaphoreType.DMA,
          pltpu.SemaphoreType.DMA,
      ],
  )
  def k(table_hbm, idx_hbm, out_hbm, idx_v, rows_v, table_sh,
        isem0, isem1, gsem0, gsem1, ssem0, ssem1):
    isem = (isem0, isem1)
    gsem = (gsem0, gsem1)
    ssem = (ssem0, ssem1)
    wid = lax.axis_index("s") * NC + lax.axis_index("c")
    base = wid * rows_per_w

    @pl.when(lax.axis_index("s") == 0)
    def _():
      pltpu.sync_copy(table_hbm, table_sh)

    plsc.subcore_barrier()

    def idx_copy(b, p):
      return pltpu.make_async_copy(
          idx_hbm.at[pl.ds(base + b * BLK, BLK)], idx_v.at[p], isem[p])

    def gather_copies(b, p):
      del b
      return [
          pltpu.make_async_copy(
              table_sh.at[idx_v.at[p, j]], rows_v.at[p, j], gsem[p])
          for j in range(BLK)
      ]

    def store_copy(b, p):
      return pltpu.make_async_copy(
          rows_v.at[p], out_hbm.at[pl.ds(base + b * BLK, BLK)], ssem[p])

    def block_iter(b, p, fire_next, wait_store_next, idx_next2):
      q = 1 - p
      if fire_next:
        if wait_store_next:
          store_copy(b - 1, q).wait()
        idx_copy(b + 1, q).wait()
        for c in gather_copies(b + 1, q):
          c.start()
      for c in gather_copies(b, p):
        c.wait()
      store_copy(b, p).start()
      if idx_next2:
        idx_copy(b + 2, p).start()

    idx_copy(0, 0).start()
    idx_copy(1, 1).start()
    idx_copy(0, 0).wait()
    for c in gather_copies(0, 0):
      c.start()

    block_iter(0, 0, True, False, True)
    block_iter(1, 1, True, True, True)

    @pl.loop(1, nb // 2 - 1)
    def _(i):
      b = i * 2
      block_iter(b, 0, True, True, True)
      block_iter(b + 1, 1, True, True, True)

    block_iter(nb - 2, 0, True, True, False)
    block_iter(nb - 1, 1, False, False, False)

    store_copy(nb - 2, 0).wait()
    store_copy(nb - 1, 1).wait()

  return k(table, idx2d)


def kernel(src_pos, table):
  b, h = src_pos.shape
  d = table.shape[1]
  n_rows = (b * h) // GROUP
  idx2d = src_pos.reshape(n_rows, GROUP)
  out = _gather(table, idx2d, n_rows, d)
  return out.reshape(b, h, d)

# --- scband reference (transcript-rebuilt; emitter-appended) ---
"""Pipeline reference for scband-position-embedding-19499151523887 (READ-ONLY COPY).

The authoritative reference and input builder live on the scoring server;
editing this copy changes nothing except your own understanding.
"""

import jax, jax.numpy as jnp
import numpy as np

SEQ_MAX_LEN = 8192
EMBED_DIM = 64
PADDING_IDX = 0
BATCH = 16384
HIST_LEN = 200


def make_sinusoid_table():
    n_position = SEQ_MAX_LEN + 1
    d_hid = EMBED_DIM
    pos = np.arange(n_position, dtype=np.float64)[:, None]
    hid = np.arange(d_hid)[None, :]
    angle = pos / np.power(10000.0, 2 * (hid // 2) / d_hid)
    table = angle.copy()
    table[:, 0::2] = np.sin(angle[:, 0::2])
    table[:, 1::2] = np.cos(angle[:, 1::2])
    table[PADDING_IDX] = 0.0
    return jnp.asarray(table, dtype=jnp.float32)


def setup_inputs(seed: int = 0) -> dict:
    key = jax.random.key(seed)
    src_pos = jax.random.randint(key, (BATCH, HIST_LEN), 0, SEQ_MAX_LEN, dtype=jnp.int32)
    table = make_sinusoid_table()
    return {"src_pos": src_pos, "table": table}


def reference(src_pos, table):
    # nn.Embedding lookup (frozen sinusoid table)
    return jnp.take(table, src_pos, axis=0)

if __name__ == "__main__":
    import jax
    _d = setup_inputs()
    print(jax.jit(kernel)(*tuple(_d.values())))

</pallas_src>

<mosaic_0001>
#map = affine_map<(d0, d1) -> (0, 0)>
#map1 = affine_map<(d0, d1) -> (0, 0, 0)>
module attributes {stable_mosaic.version = 14 : i64} {
  func.func @k(%arg0: i32, %arg1: i32, %arg2: memref<8193x64xf32, #tpu.memory_space<hbm>>, %arg3: memref<25600x128xi32, #tpu.memory_space<hbm>>, %arg4: memref<25600x128x64xf32, #tpu.memory_space<hbm>>, %arg5: memref<2x4x128xi32, #tpu.memory_space<vmem>>, %arg6: memref<2x4x128x64xf32, #tpu.memory_space<vmem>>, %arg7: memref<8193x64xf32, #tpu.memory_space<vmem_shared>>, %arg8: memref<!tpu.dma_semaphore, #tpu.memory_space<semaphore_mem>>, %arg9: memref<!tpu.dma_semaphore, #tpu.memory_space<semaphore_mem>>, %arg10: memref<!tpu.dma_semaphore, #tpu.memory_space<semaphore_mem>>, %arg11: memref<!tpu.dma_semaphore, #tpu.memory_space<semaphore_mem>>, %arg12: memref<!tpu.dma_semaphore, #tpu.memory_space<semaphore_mem>>, %arg13: memref<!tpu.dma_semaphore, #tpu.memory_space<semaphore_mem>>) attributes {dimension_semantics = [#tpu.dimension_semantics<core_parallel>, #tpu.dimension_semantics<subcore_parallel>], iteration_bounds = array<i64: 2, 16>, scalar_prefetch = 0 : i64, scratch_operands = 9 : i64, tpu.core_type = #tpu.core_type<sc_vector_subcore>, window_params = [{transform_indices = #map}, {transform_indices = #map}, {transform_indices = #map1}]} {
    %mul3A = arith.constant 2 : i32
    %mul3A_0 = arith.muli %arg1, %mul3A : i32
    %add3A = arith.addi %mul3A_0, %arg0 : i32
    %mul3A_1 = arith.constant 800 : i32
    %mul3A_2 = arith.muli %add3A, %mul3A_1 : i32
    %eq3A = arith.constant 0 : i32
    %eq3A_3 = arith.cmpi eq, %arg1, %eq3A : i32
    %convert_element_type3A = arith.extui %eq3A_3 : i1 to i32
    %cond3A = arith.constant 0 : i32
    %cond3A_4 = arith.cmpi ne, %convert_element_type3A, %cond3A : i32
    scf.if %cond3A_4 {
      "tpu.region"() ({
        %run_scoped3A = tpu.sem_alloc : memref<!tpu.dma_semaphore, #tpu.memory_space<semaphore_mem>>
        tpu.enqueue_dma source(%arg2 : memref<8193x64xf32, #tpu.memory_space<hbm>>) target(%arg7 : memref<8193x64xf32, #tpu.memory_space<vmem_shared>>) target_semaphore(%run_scoped3A : memref<!tpu.dma_semaphore, #tpu.memory_space<semaphore_mem>>)
        tpu.wait_dma2 semaphore(%run_scoped3A : memref<!tpu.dma_semaphore, #tpu.memory_space<semaphore_mem>>) src(%arg2 : memref<8193x64xf32, #tpu.memory_space<hbm>>) dst(%arg7 : memref<8193x64xf32, #tpu.memory_space<vmem_shared>>)
        tpu.yield
      }) : () -> ()
    } else {
    }
    %barrier3A = arith.constant 0 : index
    tpu.barrier barrier_id(%barrier3A)
    %add3A_5 = arith.constant 0 : i32
    %add3A_6 = arith.addi %mul3A_2, %add3A_5 : i32
    %dma_start3A = arith.constant 0 : i32
    %dma_start3A_7 = arith.constant 0 : i32
    %dma_start3A_8 = arith.constant 0 : i32
    %dma_start3A_9 = tpu.memref_slice %arg5[%dma_start3A, %dma_start3A_7, %dma_start3A_8] : memref<2x4x128xi32, #tpu.memory_space<vmem>> -> memref<1x4x128xi32, #tpu.memory_space<vmem>>
    %dma_start3A_10 = tpu.memref_squeeze %dma_start3A_9 : memref<1x4x128xi32, #tpu.memory_space<vmem>> -> memref<4x128xi32, #tpu.memory_space<vmem>>
    %dma_start3A_11 = arith.constant 0 : i32
    %dma_start3A_12 = tpu.memref_slice %arg3[%add3A_6, %dma_start3A_11] : memref<25600x128xi32, #tpu.memory_space<hbm>> -> memref<4x128xi32, #tpu.memory_space<hbm>>
    %dma_start3A_13 = arith.constant 0 : i32
    %dma_start3A_14 = arith.constant 0 : i32
    %dma_start3A_15 = tpu.memref_slice %arg5[%dma_start3A, %dma_start3A_13, %dma_start3A_14] : memref<2x4x128xi32, #tpu.memory_space<vmem>> -> memref<1x4x128xi32, #tpu.memory_space<vmem>>
    %dma_start3A_16 = tpu.memref_squeeze %dma_start3A_15 : memref<1x4x128xi32, #tpu.memory_space<vmem>> -> memref<4x128xi32, #tpu.memory_space<vmem>>
    %dma_start3A_17 = arith.constant 0 : i32
    %dma_start3A_18 = tpu.memref_slice %arg3[%add3A_6, %dma_start3A_17] : memref<25600x128xi32, #tpu.memory_space<hbm>> -> memref<4x128xi32, #tpu.memory_space<hbm>>
    tpu.enqueue_dma source(%dma_start3A_18 : memref<4x128xi32, #tpu.memory_space<hbm>>) target(%dma_start3A_16 : memref<4x128xi32, #tpu.memory_space<vmem>>) target_semaphore(%arg8 : memref<!tpu.dma_semaphore, #tpu.memory_space<semaphore_mem>>)
    %add3A_19 = arith.constant 4 : i32
    %add3A_20 = arith.addi %mul3A_2, %add3A_19 : i32
    %dma_start3A_21 = arith.constant 1 : i32
    %dma_start3A_22 = arith.constant 0 : i32
    %dma_start3A_23 = arith.constant 0 : i32
    %dma_start3A_24 = tpu.memref_slice %arg5[%dma_start3A_21, %dma_start3A_22, %dma_start3A_23] : memref<2x4x128xi32, #tpu.memory_space<vmem>> -> memref<1x4x128xi32, #tpu.memory_space<vmem>>
    %dma_start3A_25 = tpu.memref_squeeze %dma_start3A_24 : memref<1x4x128xi32, #tpu.memory_space<vmem>> -> memref<4x128xi32, #tpu.memory_space<vmem>>
    %dma_start3A_26 = arith.constant 0 : i32
    %dma_start3A_27 = tpu.memref_slice %arg3[%add3A_20, %dma_start3A_26] : memref<25600x128xi32, #tpu.memory_space<hbm>> -> memref<4x128xi32, #tpu.memory_space<hbm>>
    %dma_start3A_28 = arith.constant 0 : i32
    %dma_start3A_29 = arith.constant 0 : i32
    %dma_start3A_30 = tpu.memref_slice %arg5[%dma_start3A_21, %dma_start3A_28, %dma_start3A_29] : memref<2x4x128xi32, #tpu.memory_space<vmem>> -> memref<1x4x128xi32, #tpu.memory_space<vmem>>
    %dma_start3A_31 = tpu.memref_squeeze %dma_start3A_30 : memref<1x4x128xi32, #tpu.memory_space<vmem>> -> memref<4x128xi32, #tpu.memory_space<vmem>>
    %dma_start3A_32 = arith.constant 0 : i32
    %dma_start3A_33 = tpu.memref_slice %arg3[%add3A_20, %dma_start3A_32] : memref<25600x128xi32, #tpu.memory_space<hbm>> -> memref<4x128xi32, #tpu.memory_space<hbm>>
    tpu.enqueue_dma source(%dma_start3A_33 : memref<4x128xi32, #tpu.memory_space<hbm>>) target(%dma_start3A_31 : memref<4x128xi32, #tpu.memory_space<vmem>>) target_semaphore(%arg9 : memref<!tpu.dma_semaphore, #tpu.memory_space<semaphore_mem>>)
    %add3A_34 = arith.constant 0 : i32
    %add3A_35 = arith.addi %mul3A_2, %add3A_34 : i32
    %dma_wait3A = arith.constant 0 : i32
    %dma_wait3A_36 = arith.constant 0 : i32
    %dma_wait3A_37 = arith.constant 0 : i32
    %dma_wait3A_38 = tpu.memref_slice %arg5[%dma_wait3A, %dma_wait3A_36, %dma_wait3A_37] : memref<2x4x128xi32, #tpu.memory_space<vmem>> -> memref<1x4x128xi32, #tpu.memory_space<vmem>>
    %dma_wait3A_39 = tpu.memref_squeeze %dma_wait3A_38 : memref<1x4x128xi32, #tpu.memory_space<vmem>> -> memref<4x128xi32, #tpu.memory_space<vmem>>
    %dma_wait3A_40 = arith.constant 0 : i32
    %dma_wait3A_41 = tpu.memref_slice %arg3[%add3A_35, %dma_wait3A_40] : memref<25600x128xi32, #tpu.memory_space<hbm>> -> memref<4x128xi32, #tpu.memory_space<hbm>>
    %dma_wait3A_42 = arith.constant 0 : i32
    %dma_wait3A_43 = arith.constant 0 : i32
    %dma_wait3A_44 = tpu.memref_slice %arg5[%dma_wait3A, %dma_wait3A_42, %dma_wait3A_43] : memref<2x4x128xi32, #tpu.memory_space<vmem>> -> memref<1x4x128xi32, #tpu.memory_space<vmem>>
    %dma_wait3A_45 = tpu.memref_squeeze %dma_wait3A_44 : memref<1x4x128xi32, #tpu.memory_space<vmem>> -> memref<4x128xi32, #tpu.memory_space<vmem>>
    %dma_wait3A_46 = arith.constant 0 : i32
    %dma_wait3A_47 = tpu.memref_slice %arg3[%add3A_35, %dma_wait3A_46] : memref<25600x128xi32, #tpu.memory_space<hbm>> -> memref<4x128xi32, #tpu.memory_space<hbm>>
    tpu.wait_dma2 semaphore(%arg8 : memref<!tpu.dma_semaphore, #tpu.memory_space<semaphore_mem>>) src(%dma_wait3A_47 : memref<4x128xi32, #tpu.memory_space<hbm>>) dst(%dma_wait3A_45 : memref<4x128xi32, #tpu.memory_space<vmem>>)
    %dma_start3A_48 = arith.constant 0 : i32
    %dma_start3A_49 = arith.constant 0 : i32
    %dma_start3A_50 = arith.constant 0 : i32
    %dma_start3A_51 = arith.constant 0 : i32
    %dma_start3A_52 = arith.constant 0 : i32
    %dma_start3A_53 = arith.constant 0 : i32
    %dma_start3A_54 = tpu.memref_slice %arg6[%dma_start3A_50, %dma_start3A_51, %dma_start3A_52, %dma_start3A_53] : memref<2x4x128x64xf32, #tpu.memory_space<vmem>> -> memref<1x1x128x64xf32, #tpu.memory_space<vmem>>
    %dma_start3A_55 = tpu.memref_squeeze %dma_start3A_54 : memref<1x1x128x64xf32, #tpu.memory_space<vmem>> -> memref<128x64xf32, #tpu.memory_space<vmem>>
    %dma_start3A_56 = arith.constant 0 : i32
    %dma_start3A_57 = tpu.memref_slice %arg5[%dma_start3A_48, %dma_start3A_49, %dma_start3A_56] : memref<2x4x128xi32, #tpu.memory_space<vmem>> -> memref<1x1x128xi32, #tpu.memory_space<vmem>>
    %dma_start3A_58 = tpu.memref_squeeze %dma_start3A_57 : memref<1x1x128xi32, #tpu.memory_space<vmem>> -> memref<128xi32, #tpu.memory_space<vmem>>
    %dma_start3A_59 = arith.constant 0 : i32
    %dma_start3A_60 = arith.constant 0 : i32
    %dma_start3A_61 = tpu.memref_slice %arg7[%dma_start3A_59, %dma_start3A_60] : memref<8193x64xf32, #tpu.memory_space<vmem_shared>> -> memref<8193x64xf32, #tpu.memory_space<vmem_shared>>
    tpu.enqueue_indirect_dma source(%dma_start3A_61 : memref<8193x64xf32, #tpu.memory_space<vmem_shared>>) target(%dma_start3A_55 : memref<128x64xf32, #tpu.memory_space<vmem>>) offsets(%dma_start3A_58 : memref<128xi32, #tpu.memory_space<vmem>>) semaphore(%arg10 : memref<!tpu.dma_semaphore, #tpu.memory_space<semaphore_mem>>)
    %dma_start3A_62 = arith.constant 0 : i32
    %dma_start3A_63 = arith.constant 1 : i32
    %dma_start3A_64 = arith.constant 0 : i32
    %dma_start3A_65 = arith.constant 1 : i32
    %dma_start3A_66 = arith.constant 0 : i32
    %dma_start3A_67 = arith.constant 0 : i32
    %dma_start3A_68 = tpu.memref_slice %arg6[%dma_start3A_64, %dma_start3A_65, %dma_start3A_66, %dma_start3A_67] : memref<2x4x128x64xf32, #tpu.memory_space<vmem>> -> memref<1x1x128x64xf32, #tpu.memory_space<vmem>>
    %dma_start3A_69 = tpu.memref_squeeze %dma_start3A_68 : memref<1x1x128x64xf32, #tpu.memory_space<vmem>> -> memref<128x64xf32, #tpu.memory_space<vmem>>
    %dma_start3A_70 = arith.constant 0 : i32
    %dma_start3A_71 = tpu.memref_slice %arg5[%dma_start3A_62, %dma_start3A_63, %dma_start3A_70] : memref<2x4x128xi32, #tpu.memory_space<vmem>> -> memref<1x1x128xi32, #tpu.memory_space<vmem>>
    %dma_start3A_72 = tpu.memref_squeeze %dma_start3A_71 : memref<1x1x128xi32, #tpu.memory_space<vmem>> -> memref<128xi32, #tpu.memory_space<vmem>>
    %dma_start3A_73 = arith.constant 0 : i32
    %dma_start3A_74 = arith.constant 0 : i32
    %dma_start3A_75 = tpu.memref_slice %arg7[%dma_start3A_73, %dma_start3A_74] : memref<8193x64xf32, #tpu.memory_space<vmem_shared>> -> memref<8193x64xf32, #tpu.memory_space<vmem_shared>>
    tpu.enqueue_indirect_dma source(%dma_start3A_75 : memref<8193x64xf32, #tpu.memory_space<vmem_shared>>) target(%dma_start3A_69 : memref<128x64xf32, #tpu.memory_space<vmem>>) offsets(%dma_start3A_72 : memref<128xi32, #tpu.memory_space<vmem>>) semaphore(%arg10 : memref<!tpu.dma_semaphore, #tpu.memory_space<semaphore_mem>>)
    %dma_start3A_76 = arith.constant 0 : i32
    %dma_start3A_77 = arith.constant 2 : i32
    %dma_start3A_78 = arith.constant 0 : i32
    %dma_start3A_79 = arith.constant 2 : i32
    %dma_start3A_80 = arith.constant 0 : i32
    %dma_start3A_81 = arith.constant 0 : i32
    %dma_start3A_82 = tpu.memref_slice %arg6[%dma_start3A_78, %dma_start3A_79, %dma_start3A_80, %dma_start3A_81] : memref<2x4x128x64xf32, #tpu.memory_space<vmem>> -> memref<1x1x128x64xf32, #tpu.memory_space<vmem>>
    %dma_start3A_83 = tpu.memref_squeeze %dma_start3A_82 : memref<1x1x128x64xf32, #tpu.memory_space<vmem>> -> memref<128x64xf32, #tpu.memory_space<vmem>>
    %dma_start3A_84 = arith.constant 0 : i32
    %dma_start3A_85 = tpu.memref_slice %arg5[%dma_start3A_76, %dma_start3A_77, %dma_start3A_84] : memref<2x4x128xi32, #tpu.memory_space<vmem>> -> memref<1x1x128xi32, #tpu.memory_space<vmem>>
    %dma_start3A_86 = tpu.memref_squeeze %dma_start3A_85 : memref<1x1x128xi32, #tpu.memory_space<vmem>> -> memref<128xi32, #tpu.memory_space<vmem>>
    %dma_start3A_87 = arith.constant 0 : i32
    %dma_start3A_88 = arith.constant 0 : i32
    %dma_start3A_89 = tpu.memref_slice %arg7[%dma_start3A_87, %dma_start3A_88] : memref<8193x64xf32, #tpu.memory_space<vmem_shared>> -> memref<8193x64xf32, #tpu.memory_space<vmem_shared>>
    tpu.enqueue_indirect_dma source(%dma_start3A_89 : memref<8193x64xf32, #tpu.memory_space<vmem_shared>>) target(%dma_start3A_83 : memref<128x64xf32, #tpu.memory_space<vmem>>) offsets(%dma_start3A_86 : memref<128xi32, #tpu.memory_space<vmem>>) semaphore(%arg10 : memref<!tpu.dma_semaphore, #tpu.memory_space<semaphore_mem>>)
    %dma_start3A_90 = arith.constant 0 : i32
    %dma_start3A_91 = arith.constant 3 : i32
    %dma_start3A_92 = arith.constant 0 : i32
    %dma_start3A_93 = arith.constant 3 : i32
    %dma_start3A_94 = arith.constant 0 : i32
    %dma_start3A_95 = arith.constant 0 : i32
    %dma_start3A_96 = tpu.memref_slice %arg6[%dma_start3A_92, %dma_start3A_93, %dma_start3A_94, %dma_start3A_95] : memref<2x4x128x64xf32, #tpu.memory_space<vmem>> -> memref<1x1x128x64xf32, #tpu.memory_space<vmem>>
    %dma_start3A_97 = tpu.memref_squeeze %dma_start3A_96 : memref<1x1x128x64xf32, #tpu.memory_space<vmem>> -> memref<128x64xf32, #tpu.memory_space<vmem>>
    %dma_start3A_98 = arith.constant 0 : i32
    %dma_start3A_99 = tpu.memref_slice %arg5[%dma_start3A_90, %dma_start3A_91, %dma_start3A_98] : memref<2x4x128xi32, #tpu.memory_space<vmem>> -> memref<1x1x128xi32, #tpu.memory_space<vmem>>
    %dma_start3A_100 = tpu.memref_squeeze %dma_start3A_99 : memref<1x1x128xi32, #tpu.memory_space<vmem>> -> memref<128xi32, #tpu.memory_space<vmem>>
    %dma_start3A_101 = arith.constant 0 : i32
    %dma_start3A_102 = arith.constant 0 : i32
    %dma_start3A_103 = tpu.memref_slice %arg7[%dma_start3A_101, %dma_start3A_102] : memref<8193x64xf32, #tpu.memory_space<vmem_shared>> -> memref<8193x64xf32, #tpu.memory_space<vmem_shared>>
    tpu.enqueue_indirect_dma source(%dma_start3A_103 : memref<8193x64xf32, #tpu.memory_space<vmem_shared>>) target(%dma_start3A_97 : memref<128x64xf32, #tpu.memory_space<vmem>>) offsets(%dma_start3A_100 : memref<128xi32, #tpu.memory_space<vmem>>) semaphore(%arg10 : memref<!tpu.dma_semaphore, #tpu.memory_space<semaphore_mem>>)
    %add3A_104 = arith.constant 4 : i32
    %add3A_105 = arith.addi %mul3A_2, %add3A_104 : i32
    %dma_wait3A_106 = arith.constant 1 : i32
    %dma_wait3A_107 = arith.constant 0 : i32
    %dma_wait3A_108 = arith.constant 0 : i32
    %dma_wait3A_109 = tpu.memref_slice %arg5[%dma_wait3A_106, %dma_wait3A_107, %dma_wait3A_108] : memref<2x4x128xi32, #tpu.memory_space<vmem>> -> memref<1x4x128xi32, #tpu.memory_space<vmem>>
    %dma_wait3A_110 = tpu.memref_squeeze %dma_wait3A_109 : memref<1x4x128xi32, #tpu.memory_space<vmem>> -> memref<4x128xi32, #tpu.memory_space<vmem>>
    %dma_wait3A_111 = arith.constant 0 : i32
    %dma_wait3A_112 = tpu.memref_slice %arg3[%add3A_105, %dma_wait3A_111] : memref<25600x128xi32, #tpu.memory_space<hbm>> -> memref<4x128xi32, #tpu.memory_space<hbm>>
    %dma_wait3A_113 = arith.constant 0 : i32
    %dma_wait3A_114 = arith.constant 0 : i32
    %dma_wait3A_115 = tpu.memref_slice %arg5[%dma_wait3A_106, %dma_wait3A_113, %dma_wait3A_114] : memref<2x4x128xi32, #tpu.memory_space<vmem>> -> memref<1x4x128xi32, #tpu.memory_space<vmem>>
    %dma_wait3A_116 = tpu.memref_squeeze %dma_wait3A_115 : memref<1x4x128xi32, #tpu.memory_space<vmem>> -> memref<4x128xi32, #tpu.memory_space<vmem>>
    %dma_wait3A_117 = arith.constant 0 : i32
    %dma_wait3A_118 = tpu.memref_slice %arg3[%add3A_105, %dma_wait3A_117] : memref<25600x128xi32, #tpu.memory_space<hbm>> -> memref<4x128xi32, #tpu.memory_space<hbm>>
    tpu.wait_dma2 semaphore(%arg9 : memref<!tpu.dma_semaphore, #tpu.memory_space<semaphore_mem>>) src(%dma_wait3A_118 : memref<4x128xi32, #tpu.memory_space<hbm>>) dst(%dma_wait3A_116 : memref<4x128xi32, #tpu.memory_space<vmem>>)
    %dma_start3A_119 = arith.constant 1 : i32
    %dma_start3A_120 = arith.constant 0 : i32
    %dma_start3A_121 = arith.constant 1 : i32
    %dma_start3A_122 = arith.constant 0 : i32
    %dma_start3A_123 = arith.constant 0 : i32
    %dma_start3A_124 = arith.constant 0 : i32
    %dma_start3A_125 = tpu.memref_slice %arg6[%dma_start3A_121, %dma_start3A_122, %dma_start3A_123, %dma_start3A_124] : memref<2x4x128x64xf32, #tpu.memory_space<vmem>> -> memref<1x1x128x64xf32, #tpu.memory_space<vmem>>
    %dma_start3A_126 = tpu.memref_squeeze %dma_start3A_125 : memref<1x1x128x64xf32, #tpu.memory_space<vmem>> -> memref<128x64xf32, #tpu.memory_space<vmem>>
    %dma_start3A_127 = arith.constant 0 : i32
    %dma_start3A_128 = tpu.memref_slice %arg5[%dma_start3A_119, %dma_start3A_120, %dma_start3A_127] : memref<2x4x128xi32, #tpu.memory_space<vmem>> -> memref<1x1x128xi32, #tpu.memory_space<vmem>>
    %dma_start3A_129 = tpu.memref_squeeze %dma_start3A_128 : memref<1x1x128xi32, #tpu.memory_space<vmem>> -> memref<128xi32, #tpu.memory_space<vmem>>
    %dma_start3A_130 = arith.constant 0 : i32
    %dma_start3A_131 = arith.constant 0 : i32
    %dma_start3A_132 = tpu.memref_slice %arg7[%dma_start3A_130, %dma_start3A_131] : memref<8193x64xf32, #tpu.memory_space<vmem_shared>> -> memref<8193x64xf32, #tpu.memory_space<vmem_shared>>
    tpu.enqueue_indirect_dma source(%dma_start3A_132 : memref<8193x64xf32, #tpu.memory_space<vmem_shared>>) target(%dma_start3A_126 : memref<128x64xf32, #tpu.memory_space<vmem>>) offsets(%dma_start3A_129 : memref<128xi32, #tpu.memory_space<vmem>>) semaphore(%arg11 : memref<!tpu.dma_semaphore, #tpu.memory_space<semaphore_mem>>)
    %dma_start3A_133 = arith.constant 1 : i32
    %dma_start3A_134 = arith.constant 1 : i32
    %dma_start3A_135 = arith.constant 1 : i32
    %dma_start3A_136 = arith.constant 1 : i32
    %dma_start3A_137 = arith.constant 0 : i32
    %dma_start3A_138 = arith.constant 0 : i32
    %dma_start3A_139 = tpu.memref_slice %arg6[%dma_start3A_135, %dma_start3A_136, %dma_start3A_137, %dma_start3A_138] : memref<2x4x128x64xf32, #tpu.memory_space<vmem>> -> memref<1x1x128x64xf32, #tpu.memory_space<vmem>>
    %dma_start3A_140 = tpu.memref_squeeze %dma_start3A_139 : memref<1x1x128x64xf32, #tpu.memory_space<vmem>> -> memref<128x64xf32, #tpu.memory_space<vmem>>
    %dma_start3A_141 = arith.constant 0 : i32
    %dma_start3A_142 = tpu.memref_slice %arg5[%dma_start3A_133, %dma_start3A_134, %dma_start3A_141] : memref<2x4x128xi32, #tpu.memory_space<vmem>> -> memref<1x1x128xi32, #tpu.memory_space<vmem>>
    %dma_start3A_143 = tpu.memref_squeeze %dma_start3A_142 : memref<1x1x128xi32, #tpu.memory_space<vmem>> -> memref<128xi32, #tpu.memory_space<vmem>>
    %dma_start3A_144 = arith.constant 0 : i32
    %dma_start3A_145 = arith.constant 0 : i32
    %dma_start3A_146 = tpu.memref_slice %arg7[%dma_start3A_144, %dma_start3A_145] : memref<8193x64xf32, #tpu.memory_space<vmem_shared>> -> memref<8193x64xf32, #tpu.memory_space<vmem_shared>>
    tpu.enqueue_indirect_dma source(%dma_start3A_146 : memref<8193x64xf32, #tpu.memory_space<vmem_shared>>) target(%dma_start3A_140 : memref<128x64xf32, #tpu.memory_space<vmem>>) offsets(%dma_start3A_143 : memref<128xi32, #tpu.memory_space<vmem>>) semaphore(%arg11 : memref<!tpu.dma_semaphore, #tpu.memory_space<semaphore_mem>>)
    %dma_start3A_147 = arith.constant 1 : i32
    %dma_start3A_148 = arith.constant 2 : i32
    %dma_start3A_149 = arith.constant 1 : i32
    %dma_start3A_150 = arith.constant 2 : i32
    %dma_start3A_151 = arith.constant 0 : i32
    %dma_start3A_152 = arith.constant 0 : i32
    %dma_start3A_153 = tpu.memref_slice %arg6[%dma_start3A_149, %dma_start3A_150, %dma_start3A_151, %dma_start3A_152] : memref<2x4x128x64xf32, #tpu.memory_space<vmem>> -> memref<1x1x128x64xf32, #tpu.memory_space<vmem>>
    %dma_start3A_154 = tpu.memref_squeeze %dma_start3A_153 : memref<1x1x128x64xf32, #tpu.memory_space<vmem>> -> memref<128x64xf32, #tpu.memory_space<vmem>>
    %dma_start3A_155 = arith.constant 0 : i32
    %dma_start3A_156 = tpu.memref_slice %arg5[%dma_start3A_147, %dma_start3A_148, %dma_start3A_155] : memref<2x4x128xi32, #tpu.memory_space<vmem>> -> memref<1x1x128xi32, #tpu.memory_space<vmem>>
    %dma_start3A_157 = tpu.memref_squeeze %dma_start3A_156 : memref<1x1x128xi32, #tpu.memory_space<vmem>> -> memref<128xi32, #tpu.memory_space<vmem>>
    %dma_start3A_158 = arith.constant 0 : i32
    %dma_start3A_159 = arith.constant 0 : i32
    %dma_start3A_160 = tpu.memref_slice %arg7[%dma_start3A_158, %dma_start3A_159] : memref<8193x64xf32, #tpu.memory_space<vmem_shared>> -> memref<8193x64xf32, #tpu.memory_space<vmem_shared>>
    tpu.enqueue_indirect_dma source(%dma_start3A_160 : memref<8193x64xf32, #tpu.memory_space<vmem_shared>>) target(%dma_start3A_154 : memref<128x64xf32, #tpu.memory_space<vmem>>) offsets(%dma_start3A_157 : memref<128xi32, #tpu.memory_space<vmem>>) semaphore(%arg11 : memref<!tpu.dma_semaphore, #tpu.memory_space<semaphore_mem>>)
    %dma_start3A_161 = arith.constant 1 : i32
    %dma_start3A_162 = arith.constant 3 : i32
    %dma_start3A_163 = arith.constant 1 : i32
    %dma_start3A_164 = arith.constant 3 : i32
    %dma_start3A_165 = arith.constant 0 : i32
    %dma_start3A_166 = arith.constant 0 : i32
    %dma_start3A_167 = tpu.memref_slice %arg6[%dma_start3A_163, %dma_start3A_164, %dma_start3A_165, %dma_start3A_166] : memref<2x4x128x64xf32, #tpu.memory_space<vmem>> -> memref<1x1x128x64xf32, #tpu.memory_space<vmem>>
    %dma_start3A_168 = tpu.memref_squeeze %dma_start3A_167 : memref<1x1x128x64xf32, #tpu.memory_space<vmem>> -> memref<128x64xf32, #tpu.memory_space<vmem>>
    %dma_start3A_169 = arith.constant 0 : i32
    %dma_start3A_170 = tpu.memref_slice %arg5[%dma_start3A_161, %dma_start3A_162, %dma_start3A_169] : memref<2x4x128xi32, #tpu.memory_space<vmem>> -> memref<1x1x128xi32, #tpu.memory_space<vmem>>
    %dma_start3A_171 = tpu.memref_squeeze %dma_start3A_170 : memref<1x1x128xi32, #tpu.memory_space<vmem>> -> memref<128xi32, #tpu.memory_space<vmem>>
    %dma_start3A_172 = arith.constant 0 : i32
    %dma_start3A_173 = arith.constant 0 : i32
    %dma_start3A_174 = tpu.memref_slice %arg7[%dma_start3A_172, %dma_start3A_173] : memref<8193x64xf32, #tpu.memory_space<vmem_shared>> -> memref<8193x64xf32, #tpu.memory_space<vmem_shared>>
    tpu.enqueue_indirect_dma source(%dma_start3A_174 : memref<8193x64xf32, #tpu.memory_space<vmem_shared>>) target(%dma_start3A_168 : memref<128x64xf32, #tpu.memory_space<vmem>>) offsets(%dma_start3A_171 : memref<128xi32, #tpu.memory_space<vmem>>) semaphore(%arg11 : memref<!tpu.dma_semaphore, #tpu.memory_space<semaphore_mem>>)
    %dma_wait3A_175 = arith.constant 0 : i32
    %dma_wait3A_176 = arith.constant 0 : i32
    %dma_wait3A_177 = arith.constant 0 : i32
    %dma_wait3A_178 = arith.constant 0 : i32
    %dma_wait3A_179 = arith.constant 0 : i32
    %dma_wait3A_180 = arith.constant 0 : i32
    %dma_wait3A_181 = tpu.memref_slice %arg6[%dma_wait3A_177, %dma_wait3A_178, %dma_wait3A_179, %dma_wait3A_180] : memref<2x4x128x64xf32, #tpu.memory_space<vmem>> -> memref<1x1x128x64xf32, #tpu.memory_space<vmem>>
    %dma_wait3A_182 = tpu.memref_squeeze %dma_wait3A_181 : memref<1x1x128x64xf32, #tpu.memory_space<vmem>> -> memref<128x64xf32, #tpu.memory_space<vmem>>
    %dma_wait3A_183 = arith.constant 0 : i32
    %dma_wait3A_184 = tpu.memref_slice %arg5[%dma_wait3A_175, %dma_wait3A_176, %dma_wait3A_183] : memref<2x4x128xi32, #tpu.memory_space<vmem>> -> memref<1x1x128xi32, #tpu.memory_space<vmem>>
    %dma_wait3A_185 = tpu.memref_squeeze %dma_wait3A_184 : memref<1x1x128xi32, #tpu.memory_space<vmem>> -> memref<128xi32, #tpu.memory_space<vmem>>
    %dma_wait3A_186 = arith.constant 0 : i32
    %dma_wait3A_187 = arith.constant 0 : i32
    %dma_wait3A_188 = tpu.memref_slice %arg7[%dma_wait3A_186, %dma_wait3A_187] : memref<8193x64xf32, #tpu.memory_space<vmem_shared>> -> memref<8193x64xf32, #tpu.memory_space<vmem_shared>>
    tpu.wait_indirect_dma semaphore(%arg10 : memref<!tpu.dma_semaphore, #tpu.memory_space<semaphore_mem>>) src(%dma_wait3A_188 : memref<8193x64xf32, #tpu.memory_space<vmem_shared>>) dst(%dma_wait3A_182 : memref<128x64xf32, #tpu.memory_space<vmem>>)
    %dma_wait3A_189 = arith.constant 0 : i32
    %dma_wait3A_190 = arith.constant 1 : i32
    %dma_wait3A_191 = arith.constant 0 : i32
    %dma_wait3A_192 = arith.constant 1 : i32
    %dma_wait3A_193 = arith.constant 0 : i32
    %dma_wait3A_194 = arith.constant 0 : i32
    %dma_wait3A_195 = tpu.memref_slice %arg6[%dma_wait3A_191, %dma_wait3A_192, %dma_wait3A_193, %dma_wait3A_194] : memref<2x4x128x64xf32, #tpu.memory_space<vmem>> -> memref<1x1x128x64xf32, #tpu.memory_space<vmem>>
    %dma_wait3A_196 = tpu.memref_squeeze %dma_wait3A_195 : memref<1x1x128x64xf32, #tpu.memory_space<vmem>> -> memref<128x64xf32, #tpu.memory_space<vmem>>
    %dma_wait3A_197 = arith.constant 0 : i32
    %dma_wait3A_198 = tpu.memref_slice %arg5[%dma_wait3A_189, %dma_wait3A_190, %dma_wait3A_197] : memref<2x4x128xi32, #tpu.memory_space<vmem>> -> memref<1x1x128xi32, #tpu.memory_space<vmem>>
    %dma_wait3A_199 = tpu.memref_squeeze %dma_wait3A_198 : memref<1x1x128xi32, #tpu.memory_space<vmem>> -> memref<128xi32, #tpu.memory_space<vmem>>
    %dma_wait3A_200 = arith.constant 0 : i32
    %dma_wait3A_201 = arith.constant 0 : i32
    %dma_wait3A_202 = tpu.memref_slice %arg7[%dma_wait3A_200, %dma_wait3A_201] : memref<8193x64xf32, #tpu.memory_space<vmem_shared>> -> memref<8193x64xf32, #tpu.memory_space<vmem_shared>>
    tpu.wait_indirect_dma semaphore(%arg10 : memref<!tpu.dma_semaphore, #tpu.memory_space<semaphore_mem>>) src(%dma_wait3A_202 : memref<8193x64xf32, #tpu.memory_space<vmem_shared>>) dst(%dma_wait3A_196 : memref<128x64xf32, #tpu.memory_space<vmem>>)
    %dma_wait3A_203 = arith.constant 0 : i32
    %dma_wait3A_204 = arith.constant 2 : i32
    %dma_wait3A_205 = arith.constant 0 : i32
    %dma_wait3A_206 = arith.constant 2 : i32
    %dma_wait3A_207 = arith.constant 0 : i32
    %dma_wait3A_208 = arith.constant 0 : i32
    %dma_wait3A_209 = tpu.memref_slice %arg6[%dma_wait3A_205, %dma_wait3A_206, %dma_wait3A_207, %dma_wait3A_208] : memref<2x4x128x64xf32, #tpu.memory_space<vmem>> -> memref<1x1x128x64xf32, #tpu.memory_space<vmem>>
    %dma_wait3A_210 = tpu.memref_squeeze %dma_wait3A_209 : memref<1x1x128x64xf32, #tpu.memory_space<vmem>> -> memref<128x64xf32, #tpu.memory_space<vmem>>
    %dma_wait3A_211 = arith.constant 0 : i32
    %dma_wait3A_212 = tpu.memref_slice %arg5[%dma_wait3A_203, %dma_wait3A_204, %dma_wait3A_211] : memref<2x4x128xi32, #tpu.memory_space<vmem>> -> memref<1x1x128xi32, #tpu.memory_space<vmem>>
    %dma_wait3A_213 = tpu.memref_squeeze %dma_wait3A_212 : memref<1x1x128xi32, #tpu.memory_space<vmem>> -> memref<128xi32, #tpu.memory_space<vmem>>
    %dma_wait3A_214 = arith.constant 0 : i32
    %dma_wait3A_215 = arith.constant 0 : i32
    %dma_wait3A_216 = tpu.memref_slice %arg7[%dma_wait3A_214, %dma_wait3A_215] : memref<8193x64xf32, #tpu.memory_space<vmem_shared>> -> memref<8193x64xf32, #tpu.memory_space<vmem_shared>>
    tpu.wait_indirect_dma semaphore(%arg10 : memref<!tpu.dma_semaphore, #tpu.memory_space<semaphore_mem>>) src(%dma_wait3A_216 : memref<8193x64xf32, #tpu.memory_space<vmem_shared>>) dst(%dma_wait3A_210 : memref<128x64xf32, #tpu.memory_space<vmem>>)
    %dma_wait3A_217 = arith.constant 0 : i32
    %dma_wait3A_218 = arith.constant 3 : i32
    %dma_wait3A_219 = arith.constant 0 : i32
    %dma_wait3A_220 = arith.constant 3 : i32
    %dma_wait3A_221 = arith.constant 0 : i32
    %dma_wait3A_222 = arith.constant 0 : i32
    %dma_wait3A_223 = tpu.memref_slice %arg6[%dma_wait3A_219, %dma_wait3A_220, %dma_wait3A_221, %dma_wait3A_222] : memref<2x4x128x64xf32, #tpu.memory_space<vmem>> -> memref<1x1x128x64xf32, #tpu.memory_space<vmem>>
    %dma_wait3A_224 = tpu.memref_squeeze %dma_wait3A_223 : memref<1x1x128x64xf32, #tpu.memory_space<vmem>> -> memref<128x64xf32, #tpu.memory_space<vmem>>
    %dma_wait3A_225 = arith.constant 0 : i32
    %dma_wait3A_226 = tpu.memref_slice %arg5[%dma_wait3A_217, %dma_wait3A_218, %dma_wait3A_225] : memref<2x4x128xi32, #tpu.memory_space<vmem>> -> memref<1x1x128xi32, #tpu.memory_space<vmem>>
    %dma_wait3A_227 = tpu.memref_squeeze %dma_wait3A_226 : memref<1x1x128xi32, #tpu.memory_space<vmem>> -> memref<128xi32, #tpu.memory_space<vmem>>
    %dma_wait3A_228 = arith.constant 0 : i32
    %dma_wait3A_229 = arith.constant 0 : i32
    %dma_wait3A_230 = tpu.memref_slice %arg7[%dma_wait3A_228, %dma_wait3A_229] : memref<8193x64xf32, #tpu.memory_space<vmem_shared>> -> memref<8193x64xf32, #tpu.memory_space<vmem_shared>>
    tpu.wait_indirect_dma semaphore(%arg10 : memref<!tpu.dma_semaphore, #tpu.memory_space<semaphore_mem>>) src(%dma_wait3A_230 : memref<8193x64xf32, #tpu.memory_space<vmem_shared>>) dst(%dma_wait3A_224 : memref<128x64xf32, #tpu.memory_space<vmem>>)
    %add3A_231 = arith.constant 0 : i32
    %add3A_232 = arith.addi %mul3A_2, %add3A_231 : i32
    %dma_start3A_233 = arith.constant 0 : i32
    %dma_start3A_234 = arith.constant 0 : i32
    %dma_start3A_235 = arith.constant 0 : i32
    %dma_start3A_236 = arith.constant 0 : i32
    %dma_start3A_237 = tpu.memref_slice %arg6[%dma_start3A_233, %dma_start3A_234, %dma_start3A_235, %dma_start3A_236] : memref<2x4x128x64xf32, #tpu.memory_space<vmem>> -> memref<1x4x128x64xf32, #tpu.memory_space<vmem>>
    %dma_start3A_238 = tpu.memref_squeeze %dma_start3A_237 : memref<1x4x128x64xf32, #tpu.memory_space<vmem>> -> memref<4x128x64xf32, #tpu.memory_space<vmem>>
    %dma_start3A_239 = arith.constant 0 : i32
    %dma_start3A_240 = arith.constant 0 : i32
    %dma_start3A_241 = tpu.memref_slice %arg4[%add3A_232, %dma_start3A_239, %dma_start3A_240] : memref<25600x128x64xf32, #tpu.memory_space<hbm>> -> memref<4x128x64xf32, #tpu.memory_space<hbm>>
    %dma_start3A_242 = arith.constant 0 : i32
    %dma_start3A_243 = arith.constant 0 : i32
    %dma_start3A_244 = tpu.memref_slice %arg4[%add3A_232, %dma_start3A_242, %dma_start3A_243] : memref<25600x128x64xf32, #tpu.memory_space<hbm>> -> memref<4x128x64xf32, #tpu.memory_space<hbm>>
    %dma_start3A_245 = arith.constant 0 : i32
    %dma_start3A_246 = arith.constant 0 : i32
    %dma_start3A_247 = arith.constant 0 : i32
    %dma_start3A_248 = tpu.memref_slice %arg6[%dma_start3A_233, %dma_start3A_245, %dma_start3A_246, %dma_start3A_247] : memref<2x4x128x64xf32, #tpu.memory_space<vmem>> -> memref<1x4x128x64xf32, #tpu.memory_space<vmem>>
    %dma_start3A_249 = tpu.memref_squeeze %dma_start3A_248 : memref<1x4x128x64xf32, #tpu.memory_space<vmem>> -> memref<4x128x64xf32, #tpu.memory_space<vmem>>
    tpu.enqueue_dma source(%dma_start3A_249 : memref<4x128x64xf32, #tpu.memory_space<vmem>>) target(%dma_start3A_244 : memref<4x128x64xf32, #tpu.memory_space<hbm>>) target_semaphore(%arg12 : memref<!tpu.dma_semaphore, #tpu.memory_space<semaphore_mem>>)
    %add3A_250 = arith.constant 8 : i32
    %add3A_251 = arith.addi %mul3A_2, %add3A_250 : i32
    %dma_start3A_252 = arith.constant 0 : i32
    %dma_start3A_253 = arith.constant 0 : i32
    %dma_start3A_254 = arith.constant 0 : i32
    %dma_start3A_255 = tpu.memref_slice %arg5[%dma_start3A_252, %dma_start3A_253, %dma_start3A_254] : memref<2x4x128xi32, #tpu.memory_space<vmem>> -> memref<1x4x128xi32, #tpu.memory_space<vmem>>
    %dma_start3A_256 = tpu.memref_squeeze %dma_start3A_255 : memref<1x4x128xi32, #tpu.memory_space<vmem>> -> memref<4x128xi32, #tpu.memory_space<vmem>>
    %dma_start3A_257 = arith.constant 0 : i32
    %dma_start3A_258 = tpu.memref_slice %arg3[%add3A_251, %dma_start3A_257] : memref<25600x128xi32, #tpu.memory_space<hbm>> -> memref<4x128xi32, #tpu.memory_space<hbm>>
    %dma_start3A_259 = arith.constant 0 : i32
    %dma_start3A_260 = arith.constant 0 : i32
    %dma_start3A_261 = tpu.memref_slice %arg5[%dma_start3A_252, %dma_start3A_259, %dma_start3A_260] : memref<2x4x128xi32, #tpu.memory_space<vmem>> -> memref<1x4x128xi32, #tpu.memory_space<vmem>>
    %dma_start3A_262 = tpu.memref_squeeze %dma_start3A_261 : memref<1x4x128xi32, #tpu.memory_space<vmem>> -> memref<4x128xi32, #tpu.memory_space<vmem>>
    %dma_start3A_263 = arith.constant 0 : i32
    %dma_start3A_264 = tpu.memref_slice %arg3[%add3A_251, %dma_start3A_263] : memref<25600x128xi32, #tpu.memory_space<hbm>> -> memref<4x128xi32, #tpu.memory_space<hbm>>
    tpu.enqueue_dma source(%dma_start3A_264 : memref<4x128xi32, #tpu.memory_space<hbm>>) target(%dma_start3A_262 : memref<4x128xi32, #tpu.memory_space<vmem>>) target_semaphore(%arg8 : memref<!tpu.dma_semaphore, #tpu.memory_space<semaphore_mem>>)
    %add3A_265 = arith.constant 0 : i32
    %add3A_266 = arith.addi %mul3A_2, %add3A_265 : i32
    %dma_wait3A_267 = arith.constant 0 : i32
    %dma_wait3A_268 = arith.constant 0 : i32
    %dma_wait3A_269 = arith.constant 0 : i32
    %dma_wait3A_270 = arith.constant 0 : i32
    %dma_wait3A_271 = tpu.memref_slice %arg6[%dma_wait3A_267, %dma_wait3A_268, %dma_wait3A_269, %dma_wait3A_270] : memref<2x4x128x64xf32, #tpu.memory_space<vmem>> -> memref<1x4x128x64xf32, #tpu.memory_space<vmem>>
    %dma_wait3A_272 = tpu.memref_squeeze %dma_wait3A_271 : memref<1x4x128x64xf32, #tpu.memory_space<vmem>> -> memref<4x128x64xf32, #tpu.memory_space<vmem>>
    %dma_wait3A_273 = arith.constant 0 : i32
    %dma_wait3A_274 = arith.constant 0 : i32
    %dma_wait3A_275 = tpu.memref_slice %arg4[%add3A_266, %dma_wait3A_273, %dma_wait3A_274] : memref<25600x128x64xf32, #tpu.memory_space<hbm>> -> memref<4x128x64xf32, #tpu.memory_space<hbm>>
    %dma_wait3A_276 = arith.constant 0 : i32
    %dma_wait3A_277 = arith.constant 0 : i32
    %dma_wait3A_278 = tpu.memref_slice %arg4[%add3A_266, %dma_wait3A_276, %dma_wait3A_277] : memref<25600x128x64xf32, #tpu.memory_space<hbm>> -> memref<4x128x64xf32, #tpu.memory_space<hbm>>
    %dma_wait3A_279 = arith.constant 0 : i32
    %dma_wait3A_280 = arith.constant 0 : i32
    %dma_wait3A_281 = arith.constant 0 : i32
    %dma_wait3A_282 = tpu.memref_slice %arg6[%dma_wait3A_267, %dma_wait3A_279, %dma_wait3A_280, %dma_wait3A_281] : memref<2x4x128x64xf32, #tpu.memory_space<vmem>> -> memref<1x4x128x64xf32, #tpu.memory_space<vmem>>
    %dma_wait3A_283 = tpu.memref_squeeze %dma_wait3A_282 : memref<1x4x128x64xf32, #tpu.memory_space<vmem>> -> memref<4x128x64xf32, #tpu.memory_space<vmem>>
    tpu.wait_dma2 semaphore(%arg12 : memref<!tpu.dma_semaphore, #tpu.memory_space<semaphore_mem>>) src(%dma_wait3A_283 : memref<4x128x64xf32, #tpu.memory_space<vmem>>) dst(%dma_wait3A_278 : memref<4x128x64xf32, #tpu.memory_space<hbm>>)
    %add3A_284 = arith.constant 8 : i32
    %add3A_285 = arith.addi %mul3A_2, %add3A_284 : i32
    %dma_wait3A_286 = arith.constant 0 : i32
    %dma_wait3A_287 = arith.constant 0 : i32
    %dma_wait3A_288 = arith.constant 0 : i32
    %dma_wait3A_289 = tpu.memref_slice %arg5[%dma_wait3A_286, %dma_wait3A_287, %dma_wait3A_288] : memref<2x4x128xi32, #tpu.memory_space<vmem>> -> memref<1x4x128xi32, #tpu.memory_space<vmem>>
    %dma_wait3A_290 = tpu.memref_squeeze %dma_wait3A_289 : memref<1x4x128xi32, #tpu.memory_space<vmem>> -> memref<4x128xi32, #tpu.memory_space<vmem>>
    %dma_wait3A_291 = arith.constant 0 : i32
    %dma_wait3A_292 = tpu.memref_slice %arg3[%add3A_285, %dma_wait3A_291] : memref<25600x128xi32, #tpu.memory_space<hbm>> -> memref<4x128xi32, #tpu.memory_space<hbm>>
    %dma_wait3A_293 = arith.constant 0 : i32
    %dma_wait3A_294 = arith.constant 0 : i32
    %dma_wait3A_295 = tpu.memref_slice %arg5[%dma_wait3A_286, %dma_wait3A_293, %dma_wait3A_294] : memref<2x4x128xi32, #tpu.memory_space<vmem>> -> memref<1x4x128xi32, #tpu.memory_space<vmem>>
    %dma_wait3A_296 = tpu.memref_squeeze %dma_wait3A_295 : memref<1x4x128xi32, #tpu.memory_space<vmem>> -> memref<4x128xi32, #tpu.memory_space<vmem>>
    %dma_wait3A_297 = arith.constant 0 : i32
    %dma_wait3A_298 = tpu.memref_slice %arg3[%add3A_285, %dma_wait3A_297] : memref<25600x128xi32, #tpu.memory_space<hbm>> -> memref<4x128xi32, #tpu.memory_space<hbm>>
    tpu.wait_dma2 semaphore(%arg8 : memref<!tpu.dma_semaphore, #tpu.memory_space<semaphore_mem>>) src(%dma_wait3A_298 : memref<4x128xi32, #tpu.memory_space<hbm>>) dst(%dma_wait3A_296 : memref<4x128xi32, #tpu.memory_space<vmem>>)
    %dma_start3A_299 = arith.constant 0 : i32
    %dma_start3A_300 = arith.constant 0 : i32
    %dma_start3A_301 = arith.constant 0 : i32
    %dma_start3A_302 = arith.constant 0 : i32
    %dma_start3A_303 = arith.constant 0 : i32
    %dma_start3A_304 = arith.constant 0 : i32
    %dma_start3A_305 = tpu.memref_slice %arg6[%dma_start3A_301, %dma_start3A_302, %dma_start3A_303, %dma_start3A_304] : memref<2x4x128x64xf32, #tpu.memory_space<vmem>> -> memref<1x1x128x64xf32, #tpu.memory_space<vmem>>
    %dma_start3A_306 = tpu.memref_squeeze %dma_start3A_305 : memref<1x1x128x64xf32, #tpu.memory_space<vmem>> -> memref<128x64xf32, #tpu.memory_space<vmem>>
    %dma_start3A_307 = arith.constant 0 : i32
    %dma_start3A_308 = tpu.memref_slice %arg5[%dma_start3A_299, %dma_start3A_300, %dma_start3A_307] : memref<2x4x128xi32, #tpu.memory_space<vmem>> -> memref<1x1x128xi32, #tpu.memory_space<vmem>>
    %dma_start3A_309 = tpu.memref_squeeze %dma_start3A_308 : memref<1x1x128xi32, #tpu.memory_space<vmem>> -> memref<128xi32, #tpu.memory_space<vmem>>
    %dma_start3A_310 = arith.constant 0 : i32
    %dma_start3A_311 = arith.constant 0 : i32
    %dma_start3A_312 = tpu.memref_slice %arg7[%dma_start3A_310, %dma_start3A_311] : memref<8193x64xf32, #tpu.memory_space<vmem_shared>> -> memref<8193x64xf32, #tpu.memory_space<vmem_shared>>
    tpu.enqueue_indirect_dma source(%dma_start3A_312 : memref<8193x64xf32, #tpu.memory_space<vmem_shared>>) target(%dma_start3A_306 : memref<128x64xf32, #tpu.memory_space<vmem>>) offsets(%dma_start3A_309 : memref<128xi32, #tpu.memory_space<vmem>>) semaphore(%arg10 : memref<!tpu.dma_semaphore, #tpu.memory_space<semaphore_mem>>)
    %dma_start3A_313 = arith.constant 0 : i32
    %dma_start3A_314 = arith.constant 1 : i32
    %dma_start3A_315 = arith.constant 0 : i32
    %dma_start3A_316 = arith.constant 1 : i32
    %dma_start3A_317 = arith.constant 0 : i32
    %dma_start3A_318 = arith.constant 0 : i32
    %dma_start3A_319 = tpu.memref_slice %arg6[%dma_start3A_315, %dma_start3A_316, %dma_start3A_317, %dma_start3A_318] : memref<2x4x128x64xf32, #tpu.memory_space<vmem>> -> memref<1x1x128x64xf32, #tpu.memory_space<vmem>>
    %dma_start3A_320 = tpu.memref_squeeze %dma_start3A_319 : memref<1x1x128x64xf32, #tpu.memory_space<vmem>> -> memref<128x64xf32, #tpu.memory_space<vmem>>
    %dma_start3A_321 = arith.constant 0 : i32
    %dma_start3A_322 = tpu.memref_slice %arg5[%dma_start3A_313, %dma_start3A_314, %dma_start3A_321] : memref<2x4x128xi32, #tpu.memory_space<vmem>> -> memref<1x1x128xi32, #tpu.memory_space<vmem>>
    %dma_start3A_323 = tpu.memref_squeeze %dma_start3A_322 : memref<1x1x128xi32, #tpu.memory_space<vmem>> -> memref<128xi32, #tpu.memory_space<vmem>>
    %dma_start3A_324 = arith.constant 0 : i32
    %dma_start3A_325 = arith.constant 0 : i32
    %dma_start3A_326 = tpu.memref_slice %arg7[%dma_start3A_324, %dma_start3A_325] : memref<8193x64xf32, #tpu.memory_space<vmem_shared>> -> memref<8193x64xf32, #tpu.memory_space<vmem_shared>>
    tpu.enqueue_indirect_dma source(%dma_start3A_326 : memref<8193x64xf32, #tpu.memory_space<vmem_shared>>) target(%dma_start3A_320 : memref<128x64xf32, #tpu.memory_space<vmem>>) offsets(%dma_start3A_323 : memref<128xi32, #tpu.memory_space<vmem>>) semaphore(%arg10 : memref<!tpu.dma_semaphore, #tpu.memory_space<semaphore_mem>>)
    %dma_start3A_327 = arith.constant 0 : i32
    %dma_start3A_328 = arith.constant 2 : i32
    %dma_start3A_329 = arith.constant 0 : i32
    %dma_start3A_330 = arith.constant 2 : i32
    %dma_start3A_331 = arith.constant 0 : i32
    %dma_start3A_332 = arith.constant 0 : i32
    %dma_start3A_333 = tpu.memref_slice %arg6[%dma_start3A_329, %dma_start3A_330, %dma_start3A_331, %dma_start3A_332] : memref<2x4x128x64xf32, #tpu.memory_space<vmem>> -> memref<1x1x128x64xf32, #tpu.memory_space<vmem>>
    %dma_start3A_334 = tpu.memref_squeeze %dma_start3A_333 : memref<1x1x128x64xf32, #tpu.memory_space<vmem>> -> memref<128x64xf32, #tpu.memory_space<vmem>>
    %dma_start3A_335 = arith.constant 0 : i32
    %dma_start3A_336 = tpu.memref_slice %arg5[%dma_start3A_327, %dma_start3A_328, %dma_start3A_335] : memref<2x4x128xi32, #tpu.memory_space<vmem>> -> memref<1x1x128xi32, #tpu.memory_space<vmem>>
    %dma_start3A_337 = tpu.memref_squeeze %dma_start3A_336 : memref<1x1x128xi32, #tpu.memory_space<vmem>> -> memref<128xi32, #tpu.memory_space<vmem>>
    %dma_start3A_338 = arith.constant 0 : i32
    %dma_start3A_339 = arith.constant 0 : i32
    %dma_start3A_340 = tpu.memref_slice %arg7[%dma_start3A_338, %dma_start3A_339] : memref<8193x64xf32, #tpu.memory_space<vmem_shared>> -> memref<8193x64xf32, #tpu.memory_space<vmem_shared>>
    tpu.enqueue_indirect_dma source(%dma_start3A_340 : memref<8193x64xf32, #tpu.memory_space<vmem_shared>>) target(%dma_start3A_334 : memref<128x64xf32, #tpu.memory_space<vmem>>) offsets(%dma_start3A_337 : memref<128xi32, #tpu.memory_space<vmem>>) semaphore(%arg10 : memref<!tpu.dma_semaphore, #tpu.memory_space<semaphore_mem>>)
    %dma_start3A_341 = arith.constant 0 : i32
    %dma_start3A_342 = arith.constant 3 : i32
    %dma_start3A_343 = arith.constant 0 : i32
    %dma_start3A_344 = arith.constant 3 : i32
    %dma_start3A_345 = arith.constant 0 : i32
    %dma_start3A_346 = arith.constant 0 : i32
    %dma_start3A_347 = tpu.memref_slice %arg6[%dma_start3A_343, %dma_start3A_344, %dma_start3A_345, %dma_start3A_346] : memref<2x4x128x64xf32, #tpu.memory_space<vmem>> -> memref<1x1x128x64xf32, #tpu.memory_space<vmem>>
    %dma_start3A_348 = tpu.memref_squeeze %dma_start3A_347 : memref<1x1x128x64xf32, #tpu.memory_space<vmem>> -> memref<128x64xf32, #tpu.memory_space<vmem>>
    %dma_start3A_349 = arith.constant 0 : i32
    %dma_start3A_350 = tpu.memref_slice %arg5[%dma_start3A_341, %dma_start3A_342, %dma_start3A_349] : memref<2x4x128xi32, #tpu.memory_space<vmem>> -> memref<1x1x128xi32, #tpu.memory_space<vmem>>
    %dma_start3A_351 = tpu.memref_squeeze %dma_start3A_350 : memref<1x1x128xi32, #tpu.memory_space<vmem>> -> memref<128xi32, #tpu.memory_space<vmem>>
    %dma_start3A_352 = arith.constant 0 : i32
    %dma_start3A_353 = arith.constant 0 : i32
    %dma_start3A_354 = tpu.memref_slice %arg7[%dma_start3A_352, %dma_start3A_353] : memref<8193x64xf32, #tpu.memory_space<vmem_shared>> -> memref<8193x64xf32, #tpu.memory_space<vmem_shared>>
    tpu.enqueue_indirect_dma source(%dma_start3A_354 : memref<8193x64xf32, #tpu.memory_space<vmem_shared>>) target(%dma_start3A_348 : memref<128x64xf32, #tpu.memory_space<vmem>>) offsets(%dma_start3A_351 : memref<128xi32, #tpu.memory_space<vmem>>) semaphore(%arg10 : memref<!tpu.dma_semaphore, #tpu.memory_space<semaphore_mem>>)
    %dma_wait3A_355 = arith.constant 1 : i32
    %dma_wait3A_356 = arith.constant 0 : i32
    %dma_wait3A_357 = arith.constant 1 : i32
    %dma_wait3A_358 = arith.constant 0 : i32
    %dma_wait3A_359 = arith.constant 0 : i32
    %dma_wait3A_360 = arith.constant 0 : i32
    %dma_wait3A_361 = tpu.memref_slice %arg6[%dma_wait3A_357, %dma_wait3A_358, %dma_wait3A_359, %dma_wait3A_360] : memref<2x4x128x64xf32, #tpu.memory_space<vmem>> -> memref<1x1x128x64xf32, #tpu.memory_space<vmem>>
    %dma_wait3A_362 = tpu.memref_squeeze %dma_wait3A_361 : memref<1x1x128x64xf32, #tpu.memory_space<vmem>> -> memref<128x64xf32, #tpu.memory_space<vmem>>
    %dma_wait3A_363 = arith.constant 0 : i32
    %dma_wait3A_364 = tpu.memref_slice %arg5[%dma_wait3A_355, %dma_wait3A_356, %dma_wait3A_363] : memref<2x4x128xi32, #tpu.memory_space<vmem>> -> memref<1x1x128xi32, #tpu.memory_space<vmem>>
    %dma_wait3A_365 = tpu.memref_squeeze %dma_wait3A_364 : memref<1x1x128xi32, #tpu.memory_space<vmem>> -> memref<128xi32, #tpu.memory_space<vmem>>
    %dma_wait3A_366 = arith.constant 0 : i32
    %dma_wait3A_367 = arith.constant 0 : i32
    %dma_wait3A_368 = tpu.memref_slice %arg7[%dma_wait3A_366, %dma_wait3A_367] : memref<8193x64xf32, #tpu.memory_space<vmem_shared>> -> memref<8193x64xf32, #tpu.memory_space<vmem_shared>>
    tpu.wait_indirect_dma semaphore(%arg11 : memref<!tpu.dma_semaphore, #tpu.memory_space<semaphore_mem>>) src(%dma_wait3A_368 : memref<8193x64xf32, #tpu.memory_space<vmem_shared>>) dst(%dma_wait3A_362 : memref<128x64xf32, #tpu.memory_space<vmem>>)
    %dma_wait3A_369 = arith.constant 1 : i32
    %dma_wait3A_370 = arith.constant 1 : i32
    %dma_wait3A_371 = arith.constant 1 : i32
    %dma_wait3A_372 = arith.constant 1 : i32
    %dma_wait3A_373 = arith.constant 0 : i32
    %dma_wait3A_374 = arith.constant 0 : i32
    %dma_wait3A_375 = tpu.memref_slice %arg6[%dma_wait3A_371, %dma_wait3A_372, %dma_wait3A_373, %dma_wait3A_374] : memref<2x4x128x64xf32, #tpu.memory_space<vmem>> -> memref<1x1x128x64xf32, #tpu.memory_space<vmem>>
    %dma_wait3A_376 = tpu.memref_squeeze %dma_wait3A_375 : memref<1x1x128x64xf32, #tpu.memory_space<vmem>> -> memref<128x64xf32, #tpu.memory_space<vmem>>
    %dma_wait3A_377 = arith.constant 0 : i32
    %dma_wait3A_378 = tpu.memref_slice %arg5[%dma_wait3A_369, %dma_wait3A_370, %dma_wait3A_377] : memref<2x4x128xi32, #tpu.memory_space<vmem>> -> memref<1x1x128xi32, #tpu.memory_space<vmem>>
    %dma_wait3A_379 = tpu.memref_squeeze %dma_wait3A_378 : memref<1x1x128xi32, #tpu.memory_space<vmem>> -> memref<128xi32, #tpu.memory_space<vmem>>
    %dma_wait3A_380 = arith.constant 0 : i32
    %dma_wait3A_381 = arith.constant 0 : i32
    %dma_wait3A_382 = tpu.memref_slice %arg7[%dma_wait3A_380, %dma_wait3A_381] : memref<8193x64xf32, #tpu.memory_space<vmem_shared>> -> memref<8193x64xf32, #tpu.memory_space<vmem_shared>>
    tpu.wait_indirect_dma semaphore(%arg11 : memref<!tpu.dma_semaphore, #tpu.memory_space<semaphore_mem>>) src(%dma_wait3A_382 : memref<8193x64xf32, #tpu.memory_space<vmem_shared>>) dst(%dma_wait3A_376 : memref<128x64xf32, #tpu.memory_space<vmem>>)
    %dma_wait3A_383 = arith.constant 1 : i32
    %dma_wait3A_384 = arith.constant 2 : i32
    %dma_wait3A_385 = arith.constant 1 : i32
    %dma_wait3A_386 = arith.constant 2 : i32
    %dma_wait3A_387 = arith.constant 0 : i32
    %dma_wait3A_388 = arith.constant 0 : i32
    %dma_wait3A_389 = tpu.memref_slice %arg6[%dma_wait3A_385, %dma_wait3A_386, %dma_wait3A_387, %dma_wait3A_388] : memref<2x4x128x64xf32, #tpu.memory_space<vmem>> -> memref<1x1x128x64xf32, #tpu.memory_space<vmem>>
    %dma_wait3A_390 = tpu.memref_squeeze %dma_wait3A_389 : memref<1x1x128x64xf32, #tpu.memory_space<vmem>> -> memref<128x64xf32, #tpu.memory_space<vmem>>
    %dma_wait3A_391 = arith.constant 0 : i32
    %dma_wait3A_392 = tpu.memref_slice %arg5[%dma_wait3A_383, %dma_wait3A_384, %dma_wait3A_391] : memref<2x4x128xi32, #tpu.memory_space<vmem>> -> memref<1x1x128xi32, #tpu.memory_space<vmem>>
    %dma_wait3A_393 = tpu.memref_squeeze %dma_wait3A_392 : memref<1x1x128xi32, #tpu.memory_space<vmem>> -> memref<128xi32, #tpu.memory_space<vmem>>
    %dma_wait3A_394 = arith.constant 0 : i32
    %dma_wait3A_395 = arith.constant 0 : i32
    %dma_wait3A_396 = tpu.memref_slice %arg7[%dma_wait3A_394, %dma_wait3A_395] : memref<8193x64xf32, #tpu.memory_space<vmem_shared>> -> memref<8193x64xf32, #tpu.memory_space<vmem_shared>>
    tpu.wait_indirect_dma semaphore(%arg11 : memref<!tpu.dma_semaphore, #tpu.memory_space<semaphore_mem>>) src(%dma_wait3A_396 : memref<8193x64xf32, #tpu.memory_space<vmem_shared>>) dst(%dma_wait3A_390 : memref<128x64xf32, #tpu.memory_space<vmem>>)
    %dma_wait3A_397 = arith.constant 1 : i32
    %dma_wait3A_398 = arith.constant 3 : i32
    %dma_wait3A_399 = arith.constant 1 : i32
    %dma_wait3A_400 = arith.constant 3 : i32
    %dma_wait3A_401 = arith.constant 0 : i32
    %dma_wait3A_402 = arith.constant 0 : i32
    %dma_wait3A_403 = tpu.memref_slice %arg6[%dma_wait3A_399, %dma_wait3A_400, %dma_wait3A_401, %dma_wait3A_402] : memref<2x4x128x64xf32, #tpu.memory_space<vmem>> -> memref<1x1x128x64xf32, #tpu.memory_space<vmem>>
    %dma_wait3A_404 = tpu.memref_squeeze %dma_wait3A_403 : memref<1x1x128x64xf32, #tpu.memory_space<vmem>> -> memref<128x64xf32, #tpu.memory_space<vmem>>
    %dma_wait3A_405 = arith.constant 0 : i32
    %dma_wait3A_406 = tpu.memref_slice %arg5[%dma_wait3A_397, %dma_wait3A_398, %dma_wait3A_405] : memref<2x4x128xi32, #tpu.memory_space<vmem>> -> memref<1x1x128xi32, #tpu.memory_space<vmem>>
    %dma_wait3A_407 = tpu.memref_squeeze %dma_wait3A_406 : memref<1x1x128xi32, #tpu.memory_space<vmem>> -> memref<128xi32, #tpu.memory_space<vmem>>
    %dma_wait3A_408 = arith.constant 0 : i32
    %dma_wait3A_409 = arith.constant 0 : i32
    %dma_wait3A_410 = tpu.memref_slice %arg7[%dma_wait3A_408, %dma_wait3A_409] : memref<8193x64xf32, #tpu.memory_space<vmem_shared>> -> memref<8193x64xf32, #tpu.memory_space<vmem_shared>>
    tpu.wait_indirect_dma semaphore(%arg11 : memref<!tpu.dma_semaphore, #tpu.memory_space<semaphore_mem>>) src(%dma_wait3A_410 : memref<8193x64xf32, #tpu.memory_space<vmem_shared>>) dst(%dma_wait3A_404 : memref<128x64xf32, #tpu.memory_space<vmem>>)
    %add3A_411 = arith.constant 4 : i32
    %add3A_412 = arith.addi %mul3A_2, %add3A_411 : i32
    %dma_start3A_413 = arith.constant 1 : i32
    %dma_start3A_414 = arith.constant 0 : i32
    %dma_start3A_415 = arith.constant 0 : i32
    %dma_start3A_416 = arith.constant 0 : i32
    %dma_start3A_417 = tpu.memref_slice %arg6[%dma_start3A_413, %dma_start3A_414, %dma_start3A_415, %dma_start3A_416] : memref<2x4x128x64xf32, #tpu.memory_space<vmem>> -> memref<1x4x128x64xf32, #tpu.memory_space<vmem>>
    %dma_start3A_418 = tpu.memref_squeeze %dma_start3A_417 : memref<1x4x128x64xf32, #tpu.memory_space<vmem>> -> memref<4x128x64xf32, #tpu.memory_space<vmem>>
    %dma_start3A_419 = arith.constant 0 : i32
    %dma_start3A_420 = arith.constant 0 : i32
    %dma_start3A_421 = tpu.memref_slice %arg4[%add3A_412, %dma_start3A_419, %dma_start3A_420] : memref<25600x128x64xf32, #tpu.memory_space<hbm>> -> memref<4x128x64xf32, #tpu.memory_space<hbm>>
    %dma_start3A_422 = arith.constant 0 : i32
    %dma_start3A_423 = arith.constant 0 : i32
    %dma_start3A_424 = tpu.memref_slice %arg4[%add3A_412, %dma_start3A_422, %dma_start3A_423] : memref<25600x128x64xf32, #tpu.memory_space<hbm>> -> memref<4x128x64xf32, #tpu.memory_space<hbm>>
    %dma_start3A_425 = arith.constant 0 : i32
    %dma_start3A_426 = arith.constant 0 : i32
    %dma_start3A_427 = arith.constant 0 : i32
    %dma_start3A_428 = tpu.memref_slice %arg6[%dma_start3A_413, %dma_start3A_425, %dma_start3A_426, %dma_start3A_427] : memref<2x4x128x64xf32, #tpu.memory_space<vmem>> -> memref<1x4x128x64xf32, #tpu.memory_space<vmem>>
    %dma_start3A_429 = tpu.memref_squeeze %dma_start3A_428 : memref<1x4x128x64xf32, #tpu.memory_space<vmem>> -> memref<4x128x64xf32, #tpu.memory_space<vmem>>
    tpu.enqueue_dma source(%dma_start3A_429 : memref<4x128x64xf32, #tpu.memory_space<vmem>>) target(%dma_start3A_424 : memref<4x128x64xf32, #tpu.memory_space<hbm>>) target_semaphore(%arg13 : memref<!tpu.dma_semaphore, #tpu.memory_space<semaphore_mem>>)
    %add3A_430 = arith.constant 12 : i32
    %add3A_431 = arith.addi %mul3A_2, %add3A_430 : i32
    %dma_start3A_432 = arith.constant 1 : i32
    %dma_start3A_433 = arith.constant 0 : i32
    %dma_start3A_434 = arith.constant 0 : i32
    %dma_start3A_435 = tpu.memref_slice %arg5[%dma_start3A_432, %dma_start3A_433, %dma_start3A_434] : memref<2x4x128xi32, #tpu.memory_space<vmem>> -> memref<1x4x128xi32, #tpu.memory_space<vmem>>
    %dma_start3A_436 = tpu.memref_squeeze %dma_start3A_435 : memref<1x4x128xi32, #tpu.memory_space<vmem>> -> memref<4x128xi32, #tpu.memory_space<vmem>>
    %dma_start3A_437 = arith.constant 0 : i32
    %dma_start3A_438 = tpu.memref_slice %arg3[%add3A_431, %dma_start3A_437] : memref<25600x128xi32, #tpu.memory_space<hbm>> -> memref<4x128xi32, #tpu.memory_space<hbm>>
    %dma_start3A_439 = arith.constant 0 : i32
    %dma_start3A_440 = arith.constant 0 : i32
    %dma_start3A_441 = tpu.memref_slice %arg5[%dma_start3A_432, %dma_start3A_439, %dma_start3A_440] : memref<2x4x128xi32, #tpu.memory_space<vmem>> -> memref<1x4x128xi32, #tpu.memory_space<vmem>>
    %dma_start3A_442 = tpu.memref_squeeze %dma_start3A_441 : memref<1x4x128xi32, #tpu.memory_space<vmem>> -> memref<4x128xi32, #tpu.memory_space<vmem>>
    %dma_start3A_443 = arith.constant 0 : i32
    %dma_start3A_444 = tpu.memref_slice %arg3[%add3A_431, %dma_start3A_443] : memref<25600x128xi32, #tpu.memory_space<hbm>> -> memref<4x128xi32, #tpu.memory_space<hbm>>
    tpu.enqueue_dma source(%dma_start3A_444 : memref<4x128xi32, #tpu.memory_space<hbm>>) target(%dma_start3A_442 : memref<4x128xi32, #tpu.memory_space<vmem>>) target_semaphore(%arg9 : memref<!tpu.dma_semaphore, #tpu.memory_space<semaphore_mem>>)
    %scan3A = arith.constant 0 : i32
    %scan3A_445 = arith.constant 98 : i32
    %scan3A_446 = arith.addi %scan3A, %scan3A_445 : i32
    %scan3A_447 = arith.constant 1 : i32
    scf.for %scan3A_727 = %scan3A to %scan3A_446 step %scan3A_447  : i32 {
      %mul3A_728 = arith.constant 1 : i32
      %mul3A_729 = arith.muli %scan3A_727, %mul3A_728 : i32
      %add3A_730 = arith.constant 1 : i32
      %add3A_731 = arith.addi %add3A_730, %mul3A_729 : i32
      %mul3A_732 = arith.constant 2 : i32
      %mul3A_733 = arith.muli %add3A_731, %mul3A_732 : i32
      %sub3A = arith.constant 1 : i32
      %sub3A_734 = arith.subi %mul3A_733, %sub3A : i32
      %mul3A_735 = arith.constant 4 : i32
      %mul3A_736 = arith.muli %sub3A_734, %mul3A_735 : i32
      %add3A_737 = arith.addi %mul3A_2, %mul3A_736 : i32
      %dma_wait3A_738 = arith.constant 1 : i32
      %dma_wait3A_739 = arith.constant 0 : i32
      %dma_wait3A_740 = arith.constant 0 : i32
      %dma_wait3A_741 = arith.constant 0 : i32
      %dma_wait3A_742 = tpu.memref_slice %arg6[%dma_wait3A_738, %dma_wait3A_739, %dma_wait3A_740, %dma_wait3A_741] : memref<2x4x128x64xf32, #tpu.memory_space<vmem>> -> memref<1x4x128x64xf32, #tpu.memory_space<vmem>>
      %dma_wait3A_743 = tpu.memref_squeeze %dma_wait3A_742 : memref<1x4x128x64xf32, #tpu.memory_space<vmem>> -> memref<4x128x64xf32, #tpu.memory_space<vmem>>
      %dma_wait3A_744 = arith.constant 0 : i32
      %dma_wait3A_745 = arith.constant 0 : i32
      %dma_wait3A_746 = tpu.memref_slice %arg4[%add3A_737, %dma_wait3A_744, %dma_wait3A_745] : memref<25600x128x64xf32, #tpu.memory_space<hbm>> -> memref<4x128x64xf32, #tpu.memory_space<hbm>>
      %dma_wait3A_747 = arith.constant 0 : i32
      %dma_wait3A_748 = arith.constant 0 : i32
      %dma_wait3A_749 = tpu.memref_slice %arg4[%add3A_737, %dma_wait3A_747, %dma_wait3A_748] : memref<25600x128x64xf32, #tpu.memory_space<hbm>> -> memref<4x128x64xf32, #tpu.memory_space<hbm>>
      %dma_wait3A_750 = arith.constant 0 : i32
      %dma_wait3A_751 = arith.constant 0 : i32
      %dma_wait3A_752 = arith.constant 0 : i32
      %dma_wait3A_753 = tpu.memref_slice %arg6[%dma_wait3A_738, %dma_wait3A_750, %dma_wait3A_751, %dma_wait3A_752] : memref<2x4x128x64xf32, #tpu.memory_space<vmem>> -> memref<1x4x128x64xf32, #tpu.memory_space<vmem>>
      %dma_wait3A_754 = tpu.memref_squeeze %dma_wait3A_753 : memref<1x4x128x64xf32, #tpu.memory_space<vmem>> -> memref<4x128x64xf32, #tpu.memory_space<vmem>>
      tpu.wait_dma2 semaphore(%arg13 : memref<!tpu.dma_semaphore, #tpu.memory_space<semaphore_mem>>) src(%dma_wait3A_754 : memref<4x128x64xf32, #tpu.memory_space<vmem>>) dst(%dma_wait3A_749 : memref<4x128x64xf32, #tpu.memory_space<hbm>>)
      %add3A_755 = arith.constant 1 : i32
      %add3A_756 = arith.addi %mul3A_733, %add3A_755 : i32
      %mul3A_757 = arith.constant 4 : i32
      %mul3A_758 = arith.muli %add3A_756, %mul3A_757 : i32
      %add3A_759 = arith.addi %mul3A_2, %mul3A_758 : i32
      %dma_wait3A_760 = arith.constant 1 : i32
      %dma_wait3A_761 = arith.constant 0 : i32
      %dma_wait3A_762 = arith.constant 0 : i32
      %dma_wait3A_763 = tpu.memref_slice %arg5[%dma_wait3A_760, %dma_wait3A_761, %dma_wait3A_762] : memref<2x4x128xi32, #tpu.memory_space<vmem>> -> memref<1x4x128xi32, #tpu.memory_space<vmem>>
      %dma_wait3A_764 = tpu.memref_squeeze %dma_wait3A_763 : memref<1x4x128xi32, #tpu.memory_space<vmem>> -> memref<4x128xi32, #tpu.memory_space<vmem>>
      %dma_wait3A_765 = arith.constant 0 : i32
      %dma_wait3A_766 = tpu.memref_slice %arg3[%add3A_759, %dma_wait3A_765] : memref<25600x128xi32, #tpu.memory_space<hbm>> -> memref<4x128xi32, #tpu.memory_space<hbm>>
      %dma_wait3A_767 = arith.constant 0 : i32
      %dma_wait3A_768 = arith.constant 0 : i32
      %dma_wait3A_769 = tpu.memref_slice %arg5[%dma_wait3A_760, %dma_wait3A_767, %dma_wait3A_768] : memref<2x4x128xi32, #tpu.memory_space<vmem>> -> memref<1x4x128xi32, #tpu.memory_space<vmem>>
      %dma_wait3A_770 = tpu.memref_squeeze %dma_wait3A_769 : memref<1x4x128xi32, #tpu.memory_space<vmem>> -> memref<4x128xi32, #tpu.memory_space<vmem>>
      %dma_wait3A_771 = arith.constant 0 : i32
      %dma_wait3A_772 = tpu.memref_slice %arg3[%add3A_759, %dma_wait3A_771] : memref<25600x128xi32, #tpu.memory_space<hbm>> -> memref<4x128xi32, #tpu.memory_space<hbm>>
      tpu.wait_dma2 semaphore(%arg9 : memref<!tpu.dma_semaphore, #tpu.memory_space<semaphore_mem>>) src(%dma_wait3A_772 : memref<4x128xi32, #tpu.memory_space<hbm>>) dst(%dma_wait3A_770 : memref<4x128xi32, #tpu.memory_space<vmem>>)
      %add3A_773 = arith.constant 1 : i32
      %add3A_774 = arith.addi %mul3A_733, %add3A_773 : i32
      %dma_start3A_775 = arith.constant 1 : i32
      %dma_start3A_776 = arith.constant 0 : i32
      %dma_start3A_777 = arith.constant 1 : i32
      %dma_start3A_778 = arith.constant 0 : i32
      %dma_start3A_779 = arith.constant 0 : i32
      %dma_start3A_780 = arith.constant 0 : i32
      %dma_start3A_781 = tpu.memref_slice %arg6[%dma_start3A_777, %dma_start3A_778, %dma_start3A_779, %dma_start3A_780] : memref<2x4x128x64xf32, #tpu.memory_space<vmem>> -> memref<1x1x128x64xf32, #tpu.memory_space<vmem>>
      %dma_start3A_782 = tpu.memref_squeeze %dma_start3A_781 : memref<1x1x128x64xf32, #tpu.memory_space<vmem>> -> memref<128x64xf32, #tpu.memory_space<vmem>>
      %dma_start3A_783 = arith.constant 0 : i32
      %dma_start3A_784 = tpu.memref_slice %arg5[%dma_start3A_775, %dma_start3A_776, %dma_start3A_783] : memref<2x4x128xi32, #tpu.memory_space<vmem>> -> memref<1x1x128xi32, #tpu.memory_space<vmem>>
      %dma_start3A_785 = tpu.memref_squeeze %dma_start3A_784 : memref<1x1x128xi32, #tpu.memory_space<vmem>> -> memref<128xi32, #tpu.memory_space<vmem>>
      %dma_start3A_786 = arith.constant 0 : i32
      %dma_start3A_787 = arith.constant 0 : i32
      %dma_start3A_788 = tpu.memref_slice %arg7[%dma_start3A_786, %dma_start3A_787] : memref<8193x64xf32, #tpu.memory_space<vmem_shared>> -> memref<8193x64xf32, #tpu.memory_space<vmem_shared>>
      tpu.enqueue_indirect_dma source(%dma_start3A_788 : memref<8193x64xf32, #tpu.memory_space<vmem_shared>>) target(%dma_start3A_782 : memref<128x64xf32, #tpu.memory_space<vmem>>) offsets(%dma_start3A_785 : memref<128xi32, #tpu.memory_space<vmem>>) semaphore(%arg11 : memref<!tpu.dma_semaphore, #tpu.memory_space<semaphore_mem>>)
      %dma_start3A_789 = arith.constant 1 : i32
      %dma_start3A_790 = arith.constant 1 : i32
      %dma_start3A_791 = arith.constant 1 : i32
      %dma_start3A_792 = arith.constant 1 : i32
      %dma_start3A_793 = arith.constant 0 : i32
      %dma_start3A_794 = arith.constant 0 : i32
      %dma_start3A_795 = tpu.memref_slice %arg6[%dma_start3A_791, %dma_start3A_792, %dma_start3A_793, %dma_start3A_794] : memref<2x4x128x64xf32, #tpu.memory_space<vmem>> -> memref<1x1x128x64xf32, #tpu.memory_space<vmem>>
      %dma_start3A_796 = tpu.memref_squeeze %dma_start3A_795 : memref<1x1x128x64xf32, #tpu.memory_space<vmem>> -> memref<128x64xf32, #tpu.memory_space<vmem>>
      %dma_start3A_797 = arith.constant 0 : i32
      %dma_start3A_798 = tpu.memref_slice %arg5[%dma_start3A_789, %dma_start3A_790, %dma_start3A_797] : memref<2x4x128xi32, #tpu.memory_space<vmem>> -> memref<1x1x128xi32, #tpu.memory_space<vmem>>
      %dma_start3A_799 = tpu.memref_squeeze %dma_start3A_798 : memref<1x1x128xi32, #tpu.memory_space<vmem>> -> memref<128xi32, #tpu.memory_space<vmem>>
      %dma_start3A_800 = arith.constant 0 : i32
      %dma_start3A_801 = arith.constant 0 : i32
      %dma_start3A_802 = tpu.memref_slice %arg7[%dma_start3A_800, %dma_start3A_801] : memref<8193x64xf32, #tpu.memory_space<vmem_shared>> -> memref<8193x64xf32, #tpu.memory_space<vmem_shared>>
      tpu.enqueue_indirect_dma source(%dma_start3A_802 : memref<8193x64xf32, #tpu.memory_space<vmem_shared>>) target(%dma_start3A_796 : memref<128x64xf32, #tpu.memory_space<vmem>>) offsets(%dma_start3A_799 : memref<128xi32, #tpu.memory_space<vmem>>) semaphore(%arg11 : memref<!tpu.dma_semaphore, #tpu.memory_space<semaphore_mem>>)
      %dma_start3A_803 = arith.constant 1 : i32
      %dma_start3A_804 = arith.constant 2 : i32
      %dma_start3A_805 = arith.constant 1 : i32
      %dma_start3A_806 = arith.constant 2 : i32
      %dma_start3A_807 = arith.constant 0 : i32
      %dma_start3A_808 = arith.constant 0 : i32
      %dma_start3A_809 = tpu.memref_slice %arg6[%dma_start3A_805, %dma_start3A_806, %dma_start3A_807, %dma_start3A_808] : memref<2x4x128x64xf32, #tpu.memory_space<vmem>> -> memref<1x1x128x64xf32, #tpu.memory_space<vmem>>
      %dma_start3A_810 = tpu.memref_squeeze %dma_start3A_809 : memref<1x1x128x64xf32, #tpu.memory_space<vmem>> -> memref<128x64xf32, #tpu.memory_space<vmem>>
      %dma_start3A_811 = arith.constant 0 : i32
      %dma_start3A_812 = tpu.memref_slice %arg5[%dma_start3A_803, %dma_start3A_804, %dma_start3A_811] : memref<2x4x128xi32, #tpu.memory_space<vmem>> -> memref<1x1x128xi32, #tpu.memory_space<vmem>>
      %dma_start3A_813 = tpu.memref_squeeze %dma_start3A_812 : memref<1x1x128xi32, #tpu.memory_space<vmem>> -> memref<128xi32, #tpu.memory_space<vmem>>
      %dma_start3A_814 = arith.constant 0 : i32
      %dma_start3A_815 = arith.constant 0 : i32
      %dma_start3A_816 = tpu.memref_slice %arg7[%dma_start3A_814, %dma_start3A_815] : memref<8193x64xf32, #tpu.memory_space<vmem_shared>> -> memref<8193x64xf32, #tpu.memory_space<vmem_shared>>
      tpu.enqueue_indirect_dma source(%dma_start3A_816 : memref<8193x64xf32, #tpu.memory_space<vmem_shared>>) target(%dma_start3A_810 : memref<128x64xf32, #tpu.memory_space<vmem>>) offsets(%dma_start3A_813 : memref<128xi32, #tpu.memory_space<vmem>>) semaphore(%arg11 : memref<!tpu.dma_semaphore, #tpu.memory_space<semaphore_mem>>)
      %dma_start3A_817 = arith.constant 1 : i32
      %dma_start3A_818 = arith.constant 3 : i32
      %dma_start3A_819 = arith.constant 1 : i32
      %dma_start3A_820 = arith.constant 3 : i32
      %dma_start3A_821 = arith.constant 0 : i32
      %dma_start3A_822 = arith.constant 0 : i32
      %dma_start3A_823 = tpu.memref_slice %arg6[%dma_start3A_819, %dma_start3A_820, %dma_start3A_821, %dma_start3A_822] : memref<2x4x128x64xf32, #tpu.memory_space<vmem>> -> memref<1x1x128x64xf32, #tpu.memory_space<vmem>>
      %dma_start3A_824 = tpu.memref_squeeze %dma_start3A_823 : memref<1x1x128x64xf32, #tpu.memory_space<vmem>> -> memref<128x64xf32, #tpu.memory_space<vmem>>
      %dma_start3A_825 = arith.constant 0 : i32
      %dma_start3A_826 = tpu.memref_slice %arg5[%dma_start3A_817, %dma_start3A_818, %dma_start3A_825] : memref<2x4x128xi32, #tpu.memory_space<vmem>> -> memref<1x1x128xi32, #tpu.memory_space<vmem>>
      %dma_start3A_827 = tpu.memref_squeeze %dma_start3A_826 : memref<1x1x128xi32, #tpu.memory_space<vmem>> -> memref<128xi32, #tpu.memory_space<vmem>>
      %dma_start3A_828 = arith.constant 0 : i32
      %dma_start3A_829 = arith.constant 0 : i32
      %dma_start3A_830 = tpu.memref_slice %arg7[%dma_start3A_828, %dma_start3A_829] : memref<8193x64xf32, #tpu.memory_space<vmem_shared>> -> memref<8193x64xf32, #tpu.memory_space<vmem_shared>>
      tpu.enqueue_indirect_dma source(%dma_start3A_830 : memref<8193x64xf32, #tpu.memory_space<vmem_shared>>) target(%dma_start3A_824 : memref<128x64xf32, #tpu.memory_space<vmem>>) offsets(%dma_start3A_827 : memref<128xi32, #tpu.memory_space<vmem>>) semaphore(%arg11 : memref<!tpu.dma_semaphore, #tpu.memory_space<semaphore_mem>>)
      %dma_wait3A_831 = arith.constant 0 : i32
      %dma_wait3A_832 = arith.constant 0 : i32
      %dma_wait3A_833 = arith.constant 0 : i32
      %dma_wait3A_834 = arith.constant 0 : i32
      %dma_wait3A_835 = arith.constant 0 : i32
      %dma_wait3A_836 = arith.constant 0 : i32
      %dma_wait3A_837 = tpu.memref_slice %arg6[%dma_wait3A_833, %dma_wait3A_834, %dma_wait3A_835, %dma_wait3A_836] : memref<2x4x128x64xf32, #tpu.memory_space<vmem>> -> memref<1x1x128x64xf32, #tpu.memory_space<vmem>>
      %dma_wait3A_838 = tpu.memref_squeeze %dma_wait3A_837 : memref<1x1x128x64xf32, #tpu.memory_space<vmem>> -> memref<128x64xf32, #tpu.memory_space<vmem>>
      %dma_wait3A_839 = arith.constant 0 : i32
      %dma_wait3A_840 = tpu.memref_slice %arg5[%dma_wait3A_831, %dma_wait3A_832, %dma_wait3A_839] : memref<2x4x128xi32, #tpu.memory_space<vmem>> -> memref<1x1x128xi32, #tpu.memory_space<vmem>>
      %dma_wait3A_841 = tpu.memref_squeeze %dma_wait3A_840 : memref<1x1x128xi32, #tpu.memory_space<vmem>> -> memref<128xi32, #tpu.memory_space<vmem>>
      %dma_wait3A_842 = arith.constant 0 : i32
      %dma_wait3A_843 = arith.constant 0 : i32
      %dma_wait3A_844 = tpu.memref_slice %arg7[%dma_wait3A_842, %dma_wait3A_843] : memref<8193x64xf32, #tpu.memory_space<vmem_shared>> -> memref<8193x64xf32, #tpu.memory_space<vmem_shared>>
      tpu.wait_indirect_dma semaphore(%arg10 : memref<!tpu.dma_semaphore, #tpu.memory_space<semaphore_mem>>) src(%dma_wait3A_844 : memref<8193x64xf32, #tpu.memory_space<vmem_shared>>) dst(%dma_wait3A_838 : memref<128x64xf32, #tpu.memory_space<vmem>>)
      %dma_wait3A_845 = arith.constant 0 : i32
      %dma_wait3A_846 = arith.constant 1 : i32
      %dma_wait3A_847 = arith.constant 0 : i32
      %dma_wait3A_848 = arith.constant 1 : i32
      %dma_wait3A_849 = arith.constant 0 : i32
      %dma_wait3A_850 = arith.constant 0 : i32
      %dma_wait3A_851 = tpu.memref_slice %arg6[%dma_wait3A_847, %dma_wait3A_848, %dma_wait3A_849, %dma_wait3A_850] : memref<2x4x128x64xf32, #tpu.memory_space<vmem>> -> memref<1x1x128x64xf32, #tpu.memory_space<vmem>>
      %dma_wait3A_852 = tpu.memref_squeeze %dma_wait3A_851 : memref<1x1x128x64xf32, #tpu.memory_space<vmem>> -> memref<128x64xf32, #tpu.memory_space<vmem>>
      %dma_wait3A_853 = arith.constant 0 : i32
      %dma_wait3A_854 = tpu.memref_slice %arg5[%dma_wait3A_845, %dma_wait3A_846, %dma_wait3A_853] : memref<2x4x128xi32, #tpu.memory_space<vmem>> -> memref<1x1x128xi32, #tpu.memory_space<vmem>>
      %dma_wait3A_855 = tpu.memref_squeeze %dma_wait3A_854 : memref<1x1x128xi32, #tpu.memory_space<vmem>> -> memref<128xi32, #tpu.memory_space<vmem>>
      %dma_wait3A_856 = arith.constant 0 : i32
      %dma_wait3A_857 = arith.constant 0 : i32
      %dma_wait3A_858 = tpu.memref_slice %arg7[%dma_wait3A_856, %dma_wait3A_857] : memref<8193x64xf32, #tpu.memory_space<vmem_shared>> -> memref<8193x64xf32, #tpu.memory_space<vmem_shared>>
      tpu.wait_indirect_dma semaphore(%arg10 : memref<!tpu.dma_semaphore, #tpu.memory_space<semaphore_mem>>) src(%dma_wait3A_858 : memref<8193x64xf32, #tpu.memory_space<vmem_shared>>) dst(%dma_wait3A_852 : memref<128x64xf32, #tpu.memory_space<vmem>>)
      %dma_wait3A_859 = arith.constant 0 : i32
      %dma_wait3A_860 = arith.constant 2 : i32
      %dma_wait3A_861 = arith.constant 0 : i32
      %dma_wait3A_862 = arith.constant 2 : i32
      %dma_wait3A_863 = arith.constant 0 : i32
      %dma_wait3A_864 = arith.constant 0 : i32
      %dma_wait3A_865 = tpu.memref_slice %arg6[%dma_wait3A_861, %dma_wait3A_862, %dma_wait3A_863, %dma_wait3A_864] : memref<2x4x128x64xf32, #tpu.memory_space<vmem>> -> memref<1x1x128x64xf32, #tpu.memory_space<vmem>>
      %dma_wait3A_866 = tpu.memref_squeeze %dma_wait3A_865 : memref<1x1x128x64xf32, #tpu.memory_space<vmem>> -> memref<128x64xf32, #tpu.memory_space<vmem>>
      %dma_wait3A_867 = arith.constant 0 : i32
      %dma_wait3A_868 = tpu.memref_slice %arg5[%dma_wait3A_859, %dma_wait3A_860, %dma_wait3A_867] : memref<2x4x128xi32, #tpu.memory_space<vmem>> -> memref<1x1x128xi32, #tpu.memory_space<vmem>>
      %dma_wait3A_869 = tpu.memref_squeeze %dma_wait3A_868 : memref<1x1x128xi32, #tpu.memory_space<vmem>> -> memref<128xi32, #tpu.memory_space<vmem>>
      %dma_wait3A_870 = arith.constant 0 : i32
      %dma_wait3A_871 = arith.constant 0 : i32
      %dma_wait3A_872 = tpu.memref_slice %arg7[%dma_wait3A_870, %dma_wait3A_871] : memref<8193x64xf32, #tpu.memory_space<vmem_shared>> -> memref<8193x64xf32, #tpu.memory_space<vmem_shared>>
      tpu.wait_indirect_dma semaphore(%arg10 : memref<!tpu.dma_semaphore, #tpu.memory_space<semaphore_mem>>) src(%dma_wait3A_872 : memref<8193x64xf32, #tpu.memory_space<vmem_shared>>) dst(%dma_wait3A_866 : memref<128x64xf32, #tpu.memory_space<vmem>>)
      %dma_wait3A_873 = arith.constant 0 : i32
      %dma_wait3A_874 = arith.constant 3 : i32
      %dma_wait3A_875 = arith.constant 0 : i32
      %dma_wait3A_876 = arith.constant 3 : i32
      %dma_wait3A_877 = arith.constant 0 : i32
      %dma_wait3A_878 = arith.constant 0 : i32
      %dma_wait3A_879 = tpu.memref_slice %arg6[%dma_wait3A_875, %dma_wait3A_876, %dma_wait3A_877, %dma_wait3A_878] : memref<2x4x128x64xf32, #tpu.memory_space<vmem>> -> memref<1x1x128x64xf32, #tpu.memory_space<vmem>>
      %dma_wait3A_880 = tpu.memref_squeeze %dma_wait3A_879 : memref<1x1x128x64xf32, #tpu.memory_space<vmem>> -> memref<128x64xf32, #tpu.memory_space<vmem>>
      %dma_wait3A_881 = arith.constant 0 : i32
      %dma_wait3A_882 = tpu.memref_slice %arg5[%dma_wait3A_873, %dma_wait3A_874, %dma_wait3A_881] : memref<2x4x128xi32, #tpu.memory_space<vmem>> -> memref<1x1x128xi32, #tpu.memory_space<vmem>>
      %dma_wait3A_883 = tpu.memref_squeeze %dma_wait3A_882 : memref<1x1x128xi32, #tpu.memory_space<vmem>> -> memref<128xi32, #tpu.memory_space<vmem>>
      %dma_wait3A_884 = arith.constant 0 : i32
      %dma_wait3A_885 = arith.constant 0 : i32
      %dma_wait3A_886 = tpu.memref_slice %arg7[%dma_wait3A_884, %dma_wait3A_885] : memref<8193x64xf32, #tpu.memory_space<vmem_shared>> -> memref<8193x64xf32, #tpu.memory_space<vmem_shared>>
      tpu.wait_indirect_dma semaphore(%arg10 : memref<!tpu.dma_semaphore, #tpu.memory_space<semaphore_mem>>) src(%dma_wait3A_886 : memref<8193x64xf32, #tpu.memory_space<vmem_shared>>) dst(%dma_wait3A_880 : memref<128x64xf32, #tpu.memory_space<vmem>>)
      %mul3A_887 = arith.constant 4 : i32
      %mul3A_888 = arith.muli %mul3A_733, %mul3A_887 : i32
      %add3A_889 = arith.addi %mul3A_2, %mul3A_888 : i32
      %dma_start3A_890 = arith.constant 0 : i32
      %dma_start3A_891 = arith.constant 0 : i32
      %dma_start3A_892 = arith.constant 0 : i32
      %dma_start3A_893 = arith.constant 0 : i32
      %dma_start3A_894 = tpu.memref_slice %arg6[%dma_start3A_890, %dma_start3A_891, %dma_start3A_892, %dma_start3A_893] : memref<2x4x128x64xf32, #tpu.memory_space<vmem>> -> memref<1x4x128x64xf32, #tpu.memory_space<vmem>>
      %dma_start3A_895 = tpu.memref_squeeze %dma_start3A_894 : memref<1x4x128x64xf32, #tpu.memory_space<vmem>> -> memref<4x128x64xf32, #tpu.memory_space<vmem>>
      %dma_start3A_896 = arith.constant 0 : i32
      %dma_start3A_897 = arith.constant 0 : i32
      %dma_start3A_898 = tpu.memref_slice %arg4[%add3A_889, %dma_start3A_896, %dma_start3A_897] : memref<25600x128x64xf32, #tpu.memory_space<hbm>> -> memref<4x128x64xf32, #tpu.memory_space<hbm>>
      %dma_start3A_899 = arith.constant 0 : i32
      %dma_start3A_900 = arith.constant 0 : i32
      %dma_start3A_901 = tpu.memref_slice %arg4[%add3A_889, %dma_start3A_899, %dma_start3A_900] : memref<25600x128x64xf32, #tpu.memory_space<hbm>> -> memref<4x128x64xf32, #tpu.memory_space<hbm>>
      %dma_start3A_902 = arith.constant 0 : i32
      %dma_start3A_903 = arith.constant 0 : i32
      %dma_start3A_904 = arith.constant 0 : i32
      %dma_start3A_905 = tpu.memref_slice %arg6[%dma_start3A_890, %dma_start3A_902, %dma_start3A_903, %dma_start3A_904] : memref<2x4x128x64xf32, #tpu.memory_space<vmem>> -> memref<1x4x128x64xf32, #tpu.memory_space<vmem>>
      %dma_start3A_906 = tpu.memref_squeeze %dma_start3A_905 : memref<1x4x128x64xf32, #tpu.memory_space<vmem>> -> memref<4x128x64xf32, #tpu.memory_space<vmem>>
      tpu.enqueue_dma source(%dma_start3A_906 : memref<4x128x64xf32, #tpu.memory_space<vmem>>) target(%dma_start3A_901 : memref<4x128x64xf32, #tpu.memory_space<hbm>>) target_semaphore(%arg12 : memref<!tpu.dma_semaphore, #tpu.memory_space<semaphore_mem>>)
      %add3A_907 = arith.constant 2 : i32
      %add3A_908 = arith.addi %mul3A_733, %add3A_907 : i32
      %mul3A_909 = arith.constant 4 : i32
      %mul3A_910 = arith.muli %add3A_908, %mul3A_909 : i32
      %add3A_911 = arith.addi %mul3A_2, %mul3A_910 : i32
      %dma_start3A_912 = arith.constant 0 : i32
      %dma_start3A_913 = arith.constant 0 : i32
      %dma_start3A_914 = arith.constant 0 : i32
      %dma_start3A_915 = tpu.memref_slice %arg5[%dma_start3A_912, %dma_start3A_913, %dma_start3A_914] : memref<2x4x128xi32, #tpu.memory_space<vmem>> -> memref<1x4x128xi32, #tpu.memory_space<vmem>>
      %dma_start3A_916 = tpu.memref_squeeze %dma_start3A_915 : memref<1x4x128xi32, #tpu.memory_space<vmem>> -> memref<4x128xi32, #tpu.memory_space<vmem>>
      %dma_start3A_917 = arith.constant 0 : i32
      %dma_start3A_918 = tpu.memref_slice %arg3[%add3A_911, %dma_start3A_917] : memref<25600x128xi32, #tpu.memory_space<hbm>> -> memref<4x128xi32, #tpu.memory_space<hbm>>
      %dma_start3A_919 = arith.constant 0 : i32
      %dma_start3A_920 = arith.constant 0 : i32
      %dma_start3A_921 = tpu.memref_slice %arg5[%dma_start3A_912, %dma_start3A_919, %dma_start3A_920] : memref<2x4x128xi32, #tpu.memory_space<vmem>> -> memref<1x4x128xi32, #tpu.memory_space<vmem>>
      %dma_start3A_922 = tpu.memref_squeeze %dma_start3A_921 : memref<1x4x128xi32, #tpu.memory_space<vmem>> -> memref<4x128xi32, #tpu.memory_space<vmem>>
      %dma_start3A_923 = arith.constant 0 : i32
      %dma_start3A_924 = tpu.memref_slice %arg3[%add3A_911, %dma_start3A_923] : memref<25600x128xi32, #tpu.memory_space<hbm>> -> memref<4x128xi32, #tpu.memory_space<hbm>>
      tpu.enqueue_dma source(%dma_start3A_924 : memref<4x128xi32, #tpu.memory_space<hbm>>) target(%dma_start3A_922 : memref<4x128xi32, #tpu.memory_space<vmem>>) target_semaphore(%arg8 : memref<!tpu.dma_semaphore, #tpu.memory_space<semaphore_mem>>)
      %add3A_925 = arith.constant 1 : i32
      %add3A_926 = arith.addi %mul3A_733, %add3A_925 : i32
      %sub3A_927 = arith.constant 1 : i32
      %sub3A_928 = arith.subi %add3A_926, %sub3A_927 : i32
      %mul3A_929 = arith.constant 4 : i32
      %mul3A_930 = arith.muli %sub3A_928, %mul3A_929 : i32
      %add3A_931 = arith.addi %mul3A_2, %mul3A_930 : i32
      %dma_wait3A_932 = arith.constant 0 : i32
      %dma_wait3A_933 = arith.constant 0 : i32
      %dma_wait3A_934 = arith.constant 0 : i32
      %dma_wait3A_935 = arith.constant 0 : i32
      %dma_wait3A_936 = tpu.memref_slice %arg6[%dma_wait3A_932, %dma_wait3A_933, %dma_wait3A_934, %dma_wait3A_935] : memref<2x4x128x64xf32, #tpu.memory_space<vmem>> -> memref<1x4x128x64xf32, #tpu.memory_space<vmem>>
      %dma_wait3A_937 = tpu.memref_squeeze %dma_wait3A_936 : memref<1x4x128x64xf32, #tpu.memory_space<vmem>> -> memref<4x128x64xf32, #tpu.memory_space<vmem>>
      %dma_wait3A_938 = arith.constant 0 : i32
      %dma_wait3A_939 = arith.constant 0 : i32
      %dma_wait3A_940 = tpu.memref_slice %arg4[%add3A_931, %dma_wait3A_938, %dma_wait3A_939] : memref<25600x128x64xf32, #tpu.memory_space<hbm>> -> memref<4x128x64xf32, #tpu.memory_space<hbm>>
      %dma_wait3A_941 = arith.constant 0 : i32
      %dma_wait3A_942 = arith.constant 0 : i32
      %dma_wait3A_943 = tpu.memref_slice %arg4[%add3A_931, %dma_wait3A_941, %dma_wait3A_942] : memref<25600x128x64xf32, #tpu.memory_space<hbm>> -> memref<4x128x64xf32, #tpu.memory_space<hbm>>
      %dma_wait3A_944 = arith.constant 0 : i32
      %dma_wait3A_945 = arith.constant 0 : i32
      %dma_wait3A_946 = arith.constant 0 : i32
      %dma_wait3A_947 = tpu.memref_slice %arg6[%dma_wait3A_932, %dma_wait3A_944, %dma_wait3A_945, %dma_wait3A_946] : memref<2x4x128x64xf32, #tpu.memory_space<vmem>> -> memref<1x4x128x64xf32, #tpu.memory_space<vmem>>
      %dma_wait3A_948 = tpu.memref_squeeze %dma_wait3A_947 : memref<1x4x128x64xf32, #tpu.memory_space<vmem>> -> memref<4x128x64xf32, #tpu.memory_space<vmem>>
      tpu.wait_dma2 semaphore(%arg12 : memref<!tpu.dma_semaphore, #tpu.memory_space<semaphore_mem>>) src(%dma_wait3A_948 : memref<4x128x64xf32, #tpu.memory_space<vmem>>) dst(%dma_wait3A_943 : memref<4x128x64xf32, #tpu.memory_space<hbm>>)
      %add3A_949 = arith.constant 1 : i32
      %add3A_950 = arith.addi %add3A_926, %add3A_949 : i32
      %mul3A_951 = arith.constant 4 : i32
      %mul3A_952 = arith.muli %add3A_950, %mul3A_951 : i32
      %add3A_953 = arith.addi %mul3A_2, %mul3A_952 : i32
      %dma_wait3A_954 = arith.constant 0 : i32
      %dma_wait3A_955 = arith.constant 0 : i32
      %dma_wait3A_956 = arith.constant 0 : i32
      %dma_wait3A_957 = tpu.memref_slice %arg5[%dma_wait3A_954, %dma_wait3A_955, %dma_wait3A_956] : memref<2x4x128xi32, #tpu.memory_space<vmem>> -> memref<1x4x128xi32, #tpu.memory_space<vmem>>
      %dma_wait3A_958 = tpu.memref_squeeze %dma_wait3A_957 : memref<1x4x128xi32, #tpu.memory_space<vmem>> -> memref<4x128xi32, #tpu.memory_space<vmem>>
      %dma_wait3A_959 = arith.constant 0 : i32
      %dma_wait3A_960 = tpu.memref_slice %arg3[%add3A_953, %dma_wait3A_959] : memref<25600x128xi32, #tpu.memory_space<hbm>> -> memref<4x128xi32, #tpu.memory_space<hbm>>
      %dma_wait3A_961 = arith.constant 0 : i32
      %dma_wait3A_962 = arith.constant 0 : i32
      %dma_wait3A_963 = tpu.memref_slice %arg5[%dma_wait3A_954, %dma_wait3A_961, %dma_wait3A_962] : memref<2x4x128xi32, #tpu.memory_space<vmem>> -> memref<1x4x128xi32, #tpu.memory_space<vmem>>
      %dma_wait3A_964 = tpu.memref_squeeze %dma_wait3A_963 : memref<1x4x128xi32, #tpu.memory_space<vmem>> -> memref<4x128xi32, #tpu.memory_space<vmem>>
      %dma_wait3A_965 = arith.constant 0 : i32
      %dma_wait3A_966 = tpu.memref_slice %arg3[%add3A_953, %dma_wait3A_965] : memref<25600x128xi32, #tpu.memory_space<hbm>> -> memref<4x128xi32, #tpu.memory_space<hbm>>
      tpu.wait_dma2 semaphore(%arg8 : memref<!tpu.dma_semaphore, #tpu.memory_space<semaphore_mem>>) src(%dma_wait3A_966 : memref<4x128xi32, #tpu.memory_space<hbm>>) dst(%dma_wait3A_964 : memref<4x128xi32, #tpu.memory_space<vmem>>)
      %add3A_967 = arith.constant 1 : i32
      %add3A_968 = arith.addi %add3A_926, %add3A_967 : i32
      %dma_start3A_969 = arith.constant 0 : i32
      %dma_start3A_970 = arith.constant 0 : i32
      %dma_start3A_971 = arith.constant 0 : i32
      %dma_start3A_972 = arith.constant 0 : i32
      %dma_start3A_973 = arith.constant 0 : i32
      %dma_start3A_974 = arith.constant 0 : i32
      %dma_start3A_975 = tpu.memref_slice %arg6[%dma_start3A_971, %dma_start3A_972, %dma_start3A_973, %dma_start3A_974] : memref<2x4x128x64xf32, #tpu.memory_space<vmem>> -> memref<1x1x128x64xf32, #tpu.memory_space<vmem>>
      %dma_start3A_976 = tpu.memref_squeeze %dma_start3A_975 : memref<1x1x128x64xf32, #tpu.memory_space<vmem>> -> memref<128x64xf32, #tpu.memory_space<vmem>>
      %dma_start3A_977 = arith.constant 0 : i32
      %dma_start3A_978 = tpu.memref_slice %arg5[%dma_start3A_969, %dma_start3A_970, %dma_start3A_977] : memref<2x4x128xi32, #tpu.memory_space<vmem>> -> memref<1x1x128xi32, #tpu.memory_space<vmem>>
      %dma_start3A_979 = tpu.memref_squeeze %dma_start3A_978 : memref<1x1x128xi32, #tpu.memory_space<vmem>> -> memref<128xi32, #tpu.memory_space<vmem>>
      %dma_start3A_980 = arith.constant 0 : i32
      %dma_start3A_981 = arith.constant 0 : i32
      %dma_start3A_982 = tpu.memref_slice %arg7[%dma_start3A_980, %dma_start3A_981] : memref<8193x64xf32, #tpu.memory_space<vmem_shared>> -> memref<8193x64xf32, #tpu.memory_space<vmem_shared>>
      tpu.enqueue_indirect_dma source(%dma_start3A_982 : memref<8193x64xf32, #tpu.memory_space<vmem_shared>>) target(%dma_start3A_976 : memref<128x64xf32, #tpu.memory_space<vmem>>) offsets(%dma_start3A_979 : memref<128xi32, #tpu.memory_space<vmem>>) semaphore(%arg10 : memref<!tpu.dma_semaphore, #tpu.memory_space<semaphore_mem>>)
      %dma_start3A_983 = arith.constant 0 : i32
      %dma_start3A_984 = arith.constant 1 : i32
      %dma_start3A_985 = arith.constant 0 : i32
      %dma_start3A_986 = arith.constant 1 : i32
      %dma_start3A_987 = arith.constant 0 : i32
      %dma_start3A_988 = arith.constant 0 : i32
      %dma_start3A_989 = tpu.memref_slice %arg6[%dma_start3A_985, %dma_start3A_986, %dma_start3A_987, %dma_start3A_988] : memref<2x4x128x64xf32, #tpu.memory_space<vmem>> -> memref<1x1x128x64xf32, #tpu.memory_space<vmem>>
      %dma_start3A_990 = tpu.memref_squeeze %dma_start3A_989 : memref<1x1x128x64xf32, #tpu.memory_space<vmem>> -> memref<128x64xf32, #tpu.memory_space<vmem>>
      %dma_start3A_991 = arith.constant 0 : i32
      %dma_start3A_992 = tpu.memref_slice %arg5[%dma_start3A_983, %dma_start3A_984, %dma_start3A_991] : memref<2x4x128xi32, #tpu.memory_space<vmem>> -> memref<1x1x128xi32, #tpu.memory_space<vmem>>
      %dma_start3A_993 = tpu.memref_squeeze %dma_start3A_992 : memref<1x1x128xi32, #tpu.memory_space<vmem>> -> memref<128xi32, #tpu.memory_space<vmem>>
      %dma_start3A_994 = arith.constant 0 : i32
      %dma_start3A_995 = arith.constant 0 : i32
      %dma_start3A_996 = tpu.memref_slice %arg7[%dma_start3A_994, %dma_start3A_995] : memref<8193x64xf32, #tpu.memory_space<vmem_shared>> -> memref<8193x64xf32, #tpu.memory_space<vmem_shared>>
      tpu.enqueue_indirect_dma source(%dma_start3A_996 : memref<8193x64xf32, #tpu.memory_space<vmem_shared>>) target(%dma_start3A_990 : memref<128x64xf32, #tpu.memory_space<vmem>>) offsets(%dma_start3A_993 : memref<128xi32, #tpu.memory_space<vmem>>) semaphore(%arg10 : memref<!tpu.dma_semaphore, #tpu.memory_space<semaphore_mem>>)
      %dma_start3A_997 = arith.constant 0 : i32
      %dma_start3A_998 = arith.constant 2 : i32
      %dma_start3A_999 = arith.constant 0 : i32
      %dma_start3A_1000 = arith.constant 2 : i32
      %dma_start3A_1001 = arith.constant 0 : i32
      %dma_start3A_1002 = arith.constant 0 : i32
      %dma_start3A_1003 = tpu.memref_slice %arg6[%dma_start3A_999, %dma_start3A_1000, %dma_start3A_1001, %dma_start3A_1002] : memref<2x4x128x64xf32, #tpu.memory_space<vmem>> -> memref<1x1x128x64xf32, #tpu.memory_space<vmem>>
      %dma_start3A_1004 = tpu.memref_squeeze %dma_start3A_1003 : memref<1x1x128x64xf32, #tpu.memory_space<vmem>> -> memref<128x64xf32, #tpu.memory_space<vmem>>
      %dma_start3A_1005 = arith.constant 0 : i32
      %dma_start3A_1006 = tpu.memref_slice %arg5[%dma_start3A_997, %dma_start3A_998, %dma_start3A_1005] : memref<2x4x128xi32, #tpu.memory_space<vmem>> -> memref<1x1x128xi32, #tpu.memory_space<vmem>>
      %dma_start3A_1007 = tpu.memref_squeeze %dma_start3A_1006 : memref<1x1x128xi32, #tpu.memory_space<vmem>> -> memref<128xi32, #tpu.memory_space<vmem>>
      %dma_start3A_1008 = arith.constant 0 : i32
      %dma_start3A_1009 = arith.constant 0 : i32
      %dma_start3A_1010 = tpu.memref_slice %arg7[%dma_start3A_1008, %dma_start3A_1009] : memref<8193x64xf32, #tpu.memory_space<vmem_shared>> -> memref<8193x64xf32, #tpu.memory_space<vmem_shared>>
      tpu.enqueue_indirect_dma source(%dma_start3A_1010 : memref<8193x64xf32, #tpu.memory_space<vmem_shared>>) target(%dma_start3A_1004 : memref<128x64xf32, #tpu.memory_space<vmem>>) offsets(%dma_start3A_1007 : memref<128xi32, #tpu.memory_space<vmem>>) semaphore(%arg10 : memref<!tpu.dma_semaphore, #tpu.memory_space<semaphore_mem>>)
      %dma_start3A_1011 = arith.constant 0 : i32
      %dma_start3A_1012 = arith.constant 3 : i32
      %dma_start3A_1013 = arith.constant 0 : i32
      %dma_start3A_1014 = arith.constant 3 : i32
      %dma_start3A_1015 = arith.constant 0 : i32
      %dma_start3A_1016 = arith.constant 0 : i32
      %dma_start3A_1017 = tpu.memref_slice %arg6[%dma_start3A_1013, %dma_start3A_1014, %dma_start3A_1015, %dma_start3A_1016] : memref<2x4x128x64xf32, #tpu.memory_space<vmem>> -> memref<1x1x128x64xf32, #tpu.memory_space<vmem>>
      %dma_start3A_1018 = tpu.memref_squeeze %dma_start3A_1017 : memref<1x1x128x64xf32, #tpu.memory_space<vmem>> -> memref<128x64xf32, #tpu.memory_space<vmem>>
      %dma_start3A_1019 = arith.constant 0 : i32
      %dma_start3A_1020 = tpu.memref_slice %arg5[%dma_start3A_1011, %dma_start3A_1012, %dma_start3A_1019] : memref<2x4x128xi32, #tpu.memory_space<vmem>> -> memref<1x1x128xi32, #tpu.memory_space<vmem>>
      %dma_start3A_1021 = tpu.memref_squeeze %dma_start3A_1020 : memref<1x1x128xi32, #tpu.memory_space<vmem>> -> memref<128xi32, #tpu.memory_space<vmem>>
      %dma_start3A_1022 = arith.constant 0 : i32
      %dma_start3A_1023 = arith.constant 0 : i32
      %dma_start3A_1024 = tpu.memref_slice %arg7[%dma_start3A_1022, %dma_start3A_1023] : memref<8193x64xf32, #tpu.memory_space<vmem_shared>> -> memref<8193x64xf32, #tpu.memory_space<vmem_shared>>
      tpu.enqueue_indirect_dma source(%dma_start3A_1024 : memref<8193x64xf32, #tpu.memory_space<vmem_shared>>) target(%dma_start3A_1018 : memref<128x64xf32, #tpu.memory_space<vmem>>) offsets(%dma_start3A_1021 : memref<128xi32, #tpu.memory_space<vmem>>) semaphore(%arg10 : memref<!tpu.dma_semaphore, #tpu.memory_space<semaphore_mem>>)
      %dma_wait3A_1025 = arith.constant 1 : i32
      %dma_wait3A_1026 = arith.constant 0 : i32
      %dma_wait3A_1027 = arith.constant 1 : i32
      %dma_wait3A_1028 = arith.constant 0 : i32
      %dma_wait3A_1029 = arith.constant 0 : i32
      %dma_wait3A_1030 = arith.constant 0 : i32
      %dma_wait3A_1031 = tpu.memref_slice %arg6[%dma_wait3A_1027, %dma_wait3A_1028, %dma_wait3A_1029, %dma_wait3A_1030] : memref<2x4x128x64xf32, #tpu.memory_space<vmem>> -> memref<1x1x128x64xf32, #tpu.memory_space<vmem>>
      %dma_wait3A_1032 = tpu.memref_squeeze %dma_wait3A_1031 : memref<1x1x128x64xf32, #tpu.memory_space<vmem>> -> memref<128x64xf32, #tpu.memory_space<vmem>>
      %dma_wait3A_1033 = arith.constant 0 : i32
      %dma_wait3A_1034 = tpu.memref_slice %arg5[%dma_wait3A_1025, %dma_wait3A_1026, %dma_wait3A_1033] : memref<2x4x128xi32, #tpu.memory_space<vmem>> -> memref<1x1x128xi32, #tpu.memory_space<vmem>>
      %dma_wait3A_1035 = tpu.memref_squeeze %dma_wait3A_1034 : memref<1x1x128xi32, #tpu.memory_space<vmem>> -> memref<128xi32, #tpu.memory_space<vmem>>
      %dma_wait3A_1036 = arith.constant 0 : i32
      %dma_wait3A_1037 = arith.constant 0 : i32
      %dma_wait3A_1038 = tpu.memref_slice %arg7[%dma_wait3A_1036, %dma_wait3A_1037] : memref<8193x64xf32, #tpu.memory_space<vmem_shared>> -> memref<8193x64xf32, #tpu.memory_space<vmem_shared>>
      tpu.wait_indirect_dma semaphore(%arg11 : memref<!tpu.dma_semaphore, #tpu.memory_space<semaphore_mem>>) src(%dma_wait3A_1038 : memref<8193x64xf32, #tpu.memory_space<vmem_shared>>) dst(%dma_wait3A_1032 : memref<128x64xf32, #tpu.memory_space<vmem>>)
      %dma_wait3A_1039 = arith.constant 1 : i32
      %dma_wait3A_1040 = arith.constant 1 : i32
      %dma_wait3A_1041 = arith.constant 1 : i32
      %dma_wait3A_1042 = arith.constant 1 : i32
      %dma_wait3A_1043 = arith.constant 0 : i32
      %dma_wait3A_1044 = arith.constant 0 : i32
      %dma_wait3A_1045 = tpu.memref_slice %arg6[%dma_wait3A_1041, %dma_wait3A_1042, %dma_wait3A_1043, %dma_wait3A_1044] : memref<2x4x128x64xf32, #tpu.memory_space<vmem>> -> memref<1x1x128x64xf32, #tpu.memory_space<vmem>>
      %dma_wait3A_1046 = tpu.memref_squeeze %dma_wait3A_1045 : memref<1x1x128x64xf32, #tpu.memory_space<vmem>> -> memref<128x64xf32, #tpu.memory_space<vmem>>
      %dma_wait3A_1047 = arith.constant 0 : i32
      %dma_wait3A_1048 = tpu.memref_slice %arg5[%dma_wait3A_1039, %dma_wait3A_1040, %dma_wait3A_1047] : memref<2x4x128xi32, #tpu.memory_space<vmem>> -> memref<1x1x128xi32, #tpu.memory_space<vmem>>
      %dma_wait3A_1049 = tpu.memref_squeeze %dma_wait3A_1048 : memref<1x1x128xi32, #tpu.memory_space<vmem>> -> memref<128xi32, #tpu.memory_space<vmem>>
      %dma_wait3A_1050 = arith.constant 0 : i32
      %dma_wait3A_1051 = arith.constant 0 : i32
      %dma_wait3A_1052 = tpu.memref_slice %arg7[%dma_wait3A_1050, %dma_wait3A_1051] : memref<8193x64xf32, #tpu.memory_space<vmem_shared>> -> memref<8193x64xf32, #tpu.memory_space<vmem_shared>>
      tpu.wait_indirect_dma semaphore(%arg11 : memref<!tpu.dma_semaphore, #tpu.memory_space<semaphore_mem>>) src(%dma_wait3A_1052 : memref<8193x64xf32, #tpu.memory_space<vmem_shared>>) dst(%dma_wait3A_1046 : memref<128x64xf32, #tpu.memory_space<vmem>>)
      %dma_wait3A_1053 = arith.constant 1 : i32
      %dma_wait3A_1054 = arith.constant 2 : i32
      %dma_wait3A_1055 = arith.constant 1 : i32
      %dma_wait3A_1056 = arith.constant 2 : i32
      %dma_wait3A_1057 = arith.constant 0 : i32
      %dma_wait3A_1058 = arith.constant 0 : i32
      %dma_wait3A_1059 = tpu.memref_slice %arg6[%dma_wait3A_1055, %dma_wait3A_1056, %dma_wait3A_1057, %dma_wait3A_1058] : memref<2x4x128x64xf32, #tpu.memory_space<vmem>> -> memref<1x1x128x64xf32, #tpu.memory_space<vmem>>
      %dma_wait3A_1060 = tpu.memref_squeeze %dma_wait3A_1059 : memref<1x1x128x64xf32, #tpu.memory_space<vmem>> -> memref<128x64xf32, #tpu.memory_space<vmem>>
      %dma_wait3A_1061 = arith.constant 0 : i32
      %dma_wait3A_1062 = tpu.memref_slice %arg5[%dma_wait3A_1053, %dma_wait3A_1054, %dma_wait3A_1061] : memref<2x4x128xi32, #tpu.memory_space<vmem>> -> memref<1x1x128xi32, #tpu.memory_space<vmem>>
      %dma_wait3A_1063 = tpu.memref_squeeze %dma_wait3A_1062 : memref<1x1x128xi32, #tpu.memory_space<vmem>> -> memref<128xi32, #tpu.memory_space<vmem>>
      %dma_wait3A_1064 = arith.constant 0 : i32
      %dma_wait3A_1065 = arith.constant 0 : i32
      %dma_wait3A_1066 = tpu.memref_slice %arg7[%dma_wait3A_1064, %dma_wait3A_1065] : memref<8193x64xf32, #tpu.memory_space<vmem_shared>> -> memref<8193x64xf32, #tpu.memory_space<vmem_shared>>
      tpu.wait_indirect_dma semaphore(%arg11 : memref<!tpu.dma_semaphore, #tpu.memory_space<semaphore_mem>>) src(%dma_wait3A_1066 : memref<8193x64xf32, #tpu.memory_space<vmem_shared>>) dst(%dma_wait3A_1060 : memref<128x64xf32, #tpu.memory_space<vmem>>)
      %dma_wait3A_1067 = arith.constant 1 : i32
      %dma_wait3A_1068 = arith.constant 3 : i32
      %dma_wait3A_1069 = arith.constant 1 : i32
      %dma_wait3A_1070 = arith.constant 3 : i32
      %dma_wait3A_1071 = arith.constant 0 : i32
      %dma_wait3A_1072 = arith.constant 0 : i32
      %dma_wait3A_1073 = tpu.memref_slice %arg6[%dma_wait3A_1069, %dma_wait3A_1070, %dma_wait3A_1071, %dma_wait3A_1072] : memref<2x4x128x64xf32, #tpu.memory_space<vmem>> -> memref<1x1x128x64xf32, #tpu.memory_space<vmem>>
      %dma_wait3A_1074 = tpu.memref_squeeze %dma_wait3A_1073 : memref<1x1x128x64xf32, #tpu.memory_space<vmem>> -> memref<128x64xf32, #tpu.memory_space<vmem>>
      %dma_wait3A_1075 = arith.constant 0 : i32
      %dma_wait3A_1076 = tpu.memref_slice %arg5[%dma_wait3A_1067, %dma_wait3A_1068, %dma_wait3A_1075] : memref<2x4x128xi32, #tpu.memory_space<vmem>> -> memref<1x1x128xi32, #tpu.memory_space<vmem>>
      %dma_wait3A_1077 = tpu.memref_squeeze %dma_wait3A_1076 : memref<1x1x128xi32, #tpu.memory_space<vmem>> -> memref<128xi32, #tpu.memory_space<vmem>>
      %dma_wait3A_1078 = arith.constant 0 : i32
      %dma_wait3A_1079 = arith.constant 0 : i32
      %dma_wait3A_1080 = tpu.memref_slice %arg7[%dma_wait3A_1078, %dma_wait3A_1079] : memref<8193x64xf32, #tpu.memory_space<vmem_shared>> -> memref<8193x64xf32, #tpu.memory_space<vmem_shared>>
      tpu.wait_indirect_dma semaphore(%arg11 : memref<!tpu.dma_semaphore, #tpu.memory_space<semaphore_mem>>) src(%dma_wait3A_1080 : memref<8193x64xf32, #tpu.memory_space<vmem_shared>>) dst(%dma_wait3A_1074 : memref<128x64xf32, #tpu.memory_space<vmem>>)
      %mul3A_1081 = arith.constant 4 : i32
      %mul3A_1082 = arith.muli %add3A_926, %mul3A_1081 : i32
      %add3A_1083 = arith.addi %mul3A_2, %mul3A_1082 : i32
      %dma_start3A_1084 = arith.constant 1 : i32
      %dma_start3A_1085 = arith.constant 0 : i32
      %dma_start3A_1086 = arith.constant 0 : i32
      %dma_start3A_1087 = arith.constant 0 : i32
      %dma_start3A_1088 = tpu.memref_slice %arg6[%dma_start3A_1084, %dma_start3A_1085, %dma_start3A_1086, %dma_start3A_1087] : memref<2x4x128x64xf32, #tpu.memory_space<vmem>> -> memref<1x4x128x64xf32, #tpu.memory_space<vmem>>
      %dma_start3A_1089 = tpu.memref_squeeze %dma_start3A_1088 : memref<1x4x128x64xf32, #tpu.memory_space<vmem>> -> memref<4x128x64xf32, #tpu.memory_space<vmem>>
      %dma_start3A_1090 = arith.constant 0 : i32
      %dma_start3A_1091 = arith.constant 0 : i32
      %dma_start3A_1092 = tpu.memref_slice %arg4[%add3A_1083, %dma_start3A_1090, %dma_start3A_1091] : memref<25600x128x64xf32, #tpu.memory_space<hbm>> -> memref<4x128x64xf32, #tpu.memory_space<hbm>>
      %dma_start3A_1093 = arith.constant 0 : i32
      %dma_start3A_1094 = arith.constant 0 : i32
      %dma_start3A_1095 = tpu.memref_slice %arg4[%add3A_1083, %dma_start3A_1093, %dma_start3A_1094] : memref<25600x128x64xf32, #tpu.memory_space<hbm>> -> memref<4x128x64xf32, #tpu.memory_space<hbm>>
      %dma_start3A_1096 = arith.constant 0 : i32
      %dma_start3A_1097 = arith.constant 0 : i32
      %dma_start3A_1098 = arith.constant 0 : i32
      %dma_start3A_1099 = tpu.memref_slice %arg6[%dma_start3A_1084, %dma_start3A_1096, %dma_start3A_1097, %dma_start3A_1098] : memref<2x4x128x64xf32, #tpu.memory_space<vmem>> -> memref<1x4x128x64xf32, #tpu.memory_space<vmem>>
      %dma_start3A_1100 = tpu.memref_squeeze %dma_start3A_1099 : memref<1x4x128x64xf32, #tpu.memory_space<vmem>> -> memref<4x128x64xf32, #tpu.memory_space<vmem>>
      tpu.enqueue_dma source(%dma_start3A_1100 : memref<4x128x64xf32, #tpu.memory_space<vmem>>) target(%dma_start3A_1095 : memref<4x128x64xf32, #tpu.memory_space<hbm>>) target_semaphore(%arg13 : memref<!tpu.dma_semaphore, #tpu.memory_space<semaphore_mem>>)
      %add3A_1101 = arith.constant 2 : i32
      %add3A_1102 = arith.addi %add3A_926, %add3A_1101 : i32
      %mul3A_1103 = arith.constant 4 : i32
      %mul3A_1104 = arith.muli %add3A_1102, %mul3A_1103 : i32
      %add3A_1105 = arith.addi %mul3A_2, %mul3A_1104 : i32
      %dma_start3A_1106 = arith.constant 1 : i32
      %dma_start3A_1107 = arith.constant 0 : i32
      %dma_start3A_1108 = arith.constant 0 : i32
      %dma_start3A_1109 = tpu.memref_slice %arg5[%dma_start3A_1106, %dma_start3A_1107, %dma_start3A_1108] : memref<2x4x128xi32, #tpu.memory_space<vmem>> -> memref<1x4x128xi32, #tpu.memory_space<vmem>>
      %dma_start3A_1110 = tpu.memref_squeeze %dma_start3A_1109 : memref<1x4x128xi32, #tpu.memory_space<vmem>> -> memref<4x128xi32, #tpu.memory_space<vmem>>
      %dma_start3A_1111 = arith.constant 0 : i32
      %dma_start3A_1112 = tpu.memref_slice %arg3[%add3A_1105, %dma_start3A_1111] : memref<25600x128xi32, #tpu.memory_space<hbm>> -> memref<4x128xi32, #tpu.memory_space<hbm>>
      %dma_start3A_1113 = arith.constant 0 : i32
      %dma_start3A_1114 = arith.constant 0 : i32
      %dma_start3A_1115 = tpu.memref_slice %arg5[%dma_start3A_1106, %dma_start3A_1113, %dma_start3A_1114] : memref<2x4x128xi32, #tpu.memory_space<vmem>> -> memref<1x4x128xi32, #tpu.memory_space<vmem>>
      %dma_start3A_1116 = tpu.memref_squeeze %dma_start3A_1115 : memref<1x4x128xi32, #tpu.memory_space<vmem>> -> memref<4x128xi32, #tpu.memory_space<vmem>>
      %dma_start3A_1117 = arith.constant 0 : i32
      %dma_start3A_1118 = tpu.memref_slice %arg3[%add3A_1105, %dma_start3A_1117] : memref<25600x128xi32, #tpu.memory_space<hbm>> -> memref<4x128xi32, #tpu.memory_space<hbm>>
      tpu.enqueue_dma source(%dma_start3A_1118 : memref<4x128xi32, #tpu.memory_space<hbm>>) target(%dma_start3A_1116 : memref<4x128xi32, #tpu.memory_space<vmem>>) target_semaphore(%arg9 : memref<!tpu.dma_semaphore, #tpu.memory_space<semaphore_mem>>)
    }
    %scan3A_448 = arith.constant 98 : i32
    %add3A_449 = arith.constant 788 : i32
    %add3A_450 = arith.addi %mul3A_2, %add3A_449 : i32
    %dma_wait3A_451 = arith.constant 1 : i32
    %dma_wait3A_452 = arith.constant 0 : i32
    %dma_wait3A_453 = arith.constant 0 : i32
    %dma_wait3A_454 = arith.constant 0 : i32
    %dma_wait3A_455 = tpu.memref_slice %arg6[%dma_wait3A_451, %dma_wait3A_452, %dma_wait3A_453, %dma_wait3A_454] : memref<2x4x128x64xf32, #tpu.memory_space<vmem>> -> memref<1x4x128x64xf32, #tpu.memory_space<vmem>>
    %dma_wait3A_456 = tpu.memref_squeeze %dma_wait3A_455 : memref<1x4x128x64xf32, #tpu.memory_space<vmem>> -> memref<4x128x64xf32, #tpu.memory_space<vmem>>
    %dma_wait3A_457 = arith.constant 0 : i32
    %dma_wait3A_458 = arith.constant 0 : i32
    %dma_wait3A_459 = tpu.memref_slice %arg4[%add3A_450, %dma_wait3A_457, %dma_wait3A_458] : memref<25600x128x64xf32, #tpu.memory_space<hbm>> -> memref<4x128x64xf32, #tpu.memory_space<hbm>>
    %dma_wait3A_460 = arith.constant 0 : i32
    %dma_wait3A_461 = arith.constant 0 : i32
    %dma_wait3A_462 = tpu.memref_slice %arg4[%add3A_450, %dma_wait3A_460, %dma_wait3A_461] : memref<25600x128x64xf32, #tpu.memory_space<hbm>> -> memref<4x128x64xf32, #tpu.memory_space<hbm>>
    %dma_wait3A_463 = arith.constant 0 : i32
    %dma_wait3A_464 = arith.constant 0 : i32
    %dma_wait3A_465 = arith.constant 0 : i32
    %dma_wait3A_466 = tpu.memref_slice %arg6[%dma_wait3A_451, %dma_wait3A_463, %dma_wait3A_464, %dma_wait3A_465] : memref<2x4x128x64xf32, #tpu.memory_space<vmem>> -> memref<1x4x128x64xf32, #tpu.memory_space<vmem>>
    %dma_wait3A_467 = tpu.memref_squeeze %dma_wait3A_466 : memref<1x4x128x64xf32, #tpu.memory_space<vmem>> -> memref<4x128x64xf32, #tpu.memory_space<vmem>>
    tpu.wait_dma2 semaphore(%arg13 : memref<!tpu.dma_semaphore, #tpu.memory_space<semaphore_mem>>) src(%dma_wait3A_467 : memref<4x128x64xf32, #tpu.memory_space<vmem>>) dst(%dma_wait3A_462 : memref<4x128x64xf32, #tpu.memory_space<hbm>>)
    %add3A_468 = arith.constant 796 : i32
    %add3A_469 = arith.addi %mul3A_2, %add3A_468 : i32
    %dma_wait3A_470 = arith.constant 1 : i32
    %dma_wait3A_471 = arith.constant 0 : i32
    %dma_wait3A_472 = arith.constant 0 : i32
    %dma_wait3A_473 = tpu.memref_slice %arg5[%dma_wait3A_470, %dma_wait3A_471, %dma_wait3A_472] : memref<2x4x128xi32, #tpu.memory_space<vmem>> -> memref<1x4x128xi32, #tpu.memory_space<vmem>>
    %dma_wait3A_474 = tpu.memref_squeeze %dma_wait3A_473 : memref<1x4x128xi32, #tpu.memory_space<vmem>> -> memref<4x128xi32, #tpu.memory_space<vmem>>
    %dma_wait3A_475 = arith.constant 0 : i32
    %dma_wait3A_476 = tpu.memref_slice %arg3[%add3A_469, %dma_wait3A_475] : memref<25600x128xi32, #tpu.memory_space<hbm>> -> memref<4x128xi32, #tpu.memory_space<hbm>>
    %dma_wait3A_477 = arith.constant 0 : i32
    %dma_wait3A_478 = arith.constant 0 : i32
    %dma_wait3A_479 = tpu.memref_slice %arg5[%dma_wait3A_470, %dma_wait3A_477, %dma_wait3A_478] : memref<2x4x128xi32, #tpu.memory_space<vmem>> -> memref<1x4x128xi32, #tpu.memory_space<vmem>>
    %dma_wait3A_480 = tpu.memref_squeeze %dma_wait3A_479 : memref<1x4x128xi32, #tpu.memory_space<vmem>> -> memref<4x128xi32, #tpu.memory_space<vmem>>
    %dma_wait3A_481 = arith.constant 0 : i32
    %dma_wait3A_482 = tpu.memref_slice %arg3[%add3A_469, %dma_wait3A_481] : memref<25600x128xi32, #tpu.memory_space<hbm>> -> memref<4x128xi32, #tpu.memory_space<hbm>>
    tpu.wait_dma2 semaphore(%arg9 : memref<!tpu.dma_semaphore, #tpu.memory_space<semaphore_mem>>) src(%dma_wait3A_482 : memref<4x128xi32, #tpu.memory_space<hbm>>) dst(%dma_wait3A_480 : memref<4x128xi32, #tpu.memory_space<vmem>>)
    %dma_start3A_483 = arith.constant 1 : i32
    %dma_start3A_484 = arith.constant 0 : i32
    %dma_start3A_485 = arith.constant 1 : i32
    %dma_start3A_486 = arith.constant 0 : i32
    %dma_start3A_487 = arith.constant 0 : i32
    %dma_start3A_488 = arith.constant 0 : i32
    %dma_start3A_489 = tpu.memref_slice %arg6[%dma_start3A_485, %dma_start3A_486, %dma_start3A_487, %dma_start3A_488] : memref<2x4x128x64xf32, #tpu.memory_space<vmem>> -> memref<1x1x128x64xf32, #tpu.memory_space<vmem>>
    %dma_start3A_490 = tpu.memref_squeeze %dma_start3A_489 : memref<1x1x128x64xf32, #tpu.memory_space<vmem>> -> memref<128x64xf32, #tpu.memory_space<vmem>>
    %dma_start3A_491 = arith.constant 0 : i32
    %dma_start3A_492 = tpu.memref_slice %arg5[%dma_start3A_483, %dma_start3A_484, %dma_start3A_491] : memref<2x4x128xi32, #tpu.memory_space<vmem>> -> memref<1x1x128xi32, #tpu.memory_space<vmem>>
    %dma_start3A_493 = tpu.memref_squeeze %dma_start3A_492 : memref<1x1x128xi32, #tpu.memory_space<vmem>> -> memref<128xi32, #tpu.memory_space<vmem>>
    %dma_start3A_494 = arith.constant 0 : i32
    %dma_start3A_495 = arith.constant 0 : i32
    %dma_start3A_496 = tpu.memref_slice %arg7[%dma_start3A_494, %dma_start3A_495] : memref<8193x64xf32, #tpu.memory_space<vmem_shared>> -> memref<8193x64xf32, #tpu.memory_space<vmem_shared>>
    tpu.enqueue_indirect_dma source(%dma_start3A_496 : memref<8193x64xf32, #tpu.memory_space<vmem_shared>>) target(%dma_start3A_490 : memref<128x64xf32, #tpu.memory_space<vmem>>) offsets(%dma_start3A_493 : memref<128xi32, #tpu.memory_space<vmem>>) semaphore(%arg11 : memref<!tpu.dma_semaphore, #tpu.memory_space<semaphore_mem>>)
    %dma_start3A_497 = arith.constant 1 : i32
    %dma_start3A_498 = arith.constant 1 : i32
    %dma_start3A_499 = arith.constant 1 : i32
    %dma_start3A_500 = arith.constant 1 : i32
    %dma_start3A_501 = arith.constant 0 : i32
    %dma_start3A_502 = arith.constant 0 : i32
    %dma_start3A_503 = tpu.memref_slice %arg6[%dma_start3A_499, %dma_start3A_500, %dma_start3A_501, %dma_start3A_502] : memref<2x4x128x64xf32, #tpu.memory_space<vmem>> -> memref<1x1x128x64xf32, #tpu.memory_space<vmem>>
    %dma_start3A_504 = tpu.memref_squeeze %dma_start3A_503 : memref<1x1x128x64xf32, #tpu.memory_space<vmem>> -> memref<128x64xf32, #tpu.memory_space<vmem>>
    %dma_start3A_505 = arith.constant 0 : i32
    %dma_start3A_506 = tpu.memref_slice %arg5[%dma_start3A_497, %dma_start3A_498, %dma_start3A_505] : memref<2x4x128xi32, #tpu.memory_space<vmem>> -> memref<1x1x128xi32, #tpu.memory_space<vmem>>
    %dma_start3A_507 = tpu.memref_squeeze %dma_start3A_506 : memref<1x1x128xi32, #tpu.memory_space<vmem>> -> memref<128xi32, #tpu.memory_space<vmem>>
    %dma_start3A_508 = arith.constant 0 : i32
    %dma_start3A_509 = arith.constant 0 : i32
    %dma_start3A_510 = tpu.memref_slice %arg7[%dma_start3A_508, %dma_start3A_509] : memref<8193x64xf32, #tpu.memory_space<vmem_shared>> -> memref<8193x64xf32, #tpu.memory_space<vmem_shared>>
    tpu.enqueue_indirect_dma source(%dma_start3A_510 : memref<8193x64xf32, #tpu.memory_space<vmem_shared>>) target(%dma_start3A_504 : memref<128x64xf32, #tpu.memory_space<vmem>>) offsets(%dma_start3A_507 : memref<128xi32, #tpu.memory_space<vmem>>) semaphore(%arg11 : memref<!tpu.dma_semaphore, #tpu.memory_space<semaphore_mem>>)
    %dma_start3A_511 = arith.constant 1 : i32
    %dma_start3A_512 = arith.constant 2 : i32
    %dma_start3A_513 = arith.constant 1 : i32
    %dma_start3A_514 = arith.constant 2 : i32
    %dma_start3A_515 = arith.constant 0 : i32
    %dma_start3A_516 = arith.constant 0 : i32
    %dma_start3A_517 = tpu.memref_slice %arg6[%dma_start3A_513, %dma_start3A_514, %dma_start3A_515, %dma_start3A_516] : memref<2x4x128x64xf32, #tpu.memory_space<vmem>> -> memref<1x1x128x64xf32, #tpu.memory_space<vmem>>
    %dma_start3A_518 = tpu.memref_squeeze %dma_start3A_517 : memref<1x1x128x64xf32, #tpu.memory_space<vmem>> -> memref<128x64xf32, #tpu.memory_space<vmem>>
    %dma_start3A_519 = arith.constant 0 : i32
    %dma_start3A_520 = tpu.memref_slice %arg5[%dma_start3A_511, %dma_start3A_512, %dma_start3A_519] : memref<2x4x128xi32, #tpu.memory_space<vmem>> -> memref<1x1x128xi32, #tpu.memory_space<vmem>>
    %dma_start3A_521 = tpu.memref_squeeze %dma_start3A_520 : memref<1x1x128xi32, #tpu.memory_space<vmem>> -> memref<128xi32, #tpu.memory_space<vmem>>
    %dma_start3A_522 = arith.constant 0 : i32
    %dma_start3A_523 = arith.constant 0 : i32
    %dma_start3A_524 = tpu.memref_slice %arg7[%dma_start3A_522, %dma_start3A_523] : memref<8193x64xf32, #tpu.memory_space<vmem_shared>> -> memref<8193x64xf32, #tpu.memory_space<vmem_shared>>
    tpu.enqueue_indirect_dma source(%dma_start3A_524 : memref<8193x64xf32, #tpu.memory_space<vmem_shared>>) target(%dma_start3A_518 : memref<128x64xf32, #tpu.memory_space<vmem>>) offsets(%dma_start3A_521 : memref<128xi32, #tpu.memory_space<vmem>>) semaphore(%arg11 : memref<!tpu.dma_semaphore, #tpu.memory_space<semaphore_mem>>)
    %dma_start3A_525 = arith.constant 1 : i32
    %dma_start3A_526 = arith.constant 3 : i32
    %dma_start3A_527 = arith.constant 1 : i32
    %dma_start3A_528 = arith.constant 3 : i32
    %dma_start3A_529 = arith.constant 0 : i32
    %dma_start3A_530 = arith.constant 0 : i32
    %dma_start3A_531 = tpu.memref_slice %arg6[%dma_start3A_527, %dma_start3A_528, %dma_start3A_529, %dma_start3A_530] : memref<2x4x128x64xf32, #tpu.memory_space<vmem>> -> memref<1x1x128x64xf32, #tpu.memory_space<vmem>>
    %dma_start3A_532 = tpu.memref_squeeze %dma_start3A_531 : memref<1x1x128x64xf32, #tpu.memory_space<vmem>> -> memref<128x64xf32, #tpu.memory_space<vmem>>
    %dma_start3A_533 = arith.constant 0 : i32
    %dma_start3A_534 = tpu.memref_slice %arg5[%dma_start3A_525, %dma_start3A_526, %dma_start3A_533] : memref<2x4x128xi32, #tpu.memory_space<vmem>> -> memref<1x1x128xi32, #tpu.memory_space<vmem>>
    %dma_start3A_535 = tpu.memref_squeeze %dma_start3A_534 : memref<1x1x128xi32, #tpu.memory_space<vmem>> -> memref<128xi32, #tpu.memory_space<vmem>>
    %dma_start3A_536 = arith.constant 0 : i32
    %dma_start3A_537 = arith.constant 0 : i32
    %dma_start3A_538 = tpu.memref_slice %arg7[%dma_start3A_536, %dma_start3A_537] : memref<8193x64xf32, #tpu.memory_space<vmem_shared>> -> memref<8193x64xf32, #tpu.memory_space<vmem_shared>>
    tpu.enqueue_indirect_dma source(%dma_start3A_538 : memref<8193x64xf32, #tpu.memory_space<vmem_shared>>) target(%dma_start3A_532 : memref<128x64xf32, #tpu.memory_space<vmem>>) offsets(%dma_start3A_535 : memref<128xi32, #tpu.memory_space<vmem>>) semaphore(%arg11 : memref<!tpu.dma_semaphore, #tpu.memory_space<semaphore_mem>>)
    %dma_wait3A_539 = arith.constant 0 : i32
    %dma_wait3A_540 = arith.constant 0 : i32
    %dma_wait3A_541 = arith.constant 0 : i32
    %dma_wait3A_542 = arith.constant 0 : i32
    %dma_wait3A_543 = arith.constant 0 : i32
    %dma_wait3A_544 = arith.constant 0 : i32
    %dma_wait3A_545 = tpu.memref_slice %arg6[%dma_wait3A_541, %dma_wait3A_542, %dma_wait3A_543, %dma_wait3A_544] : memref<2x4x128x64xf32, #tpu.memory_space<vmem>> -> memref<1x1x128x64xf32, #tpu.memory_space<vmem>>
    %dma_wait3A_546 = tpu.memref_squeeze %dma_wait3A_545 : memref<1x1x128x64xf32, #tpu.memory_space<vmem>> -> memref<128x64xf32, #tpu.memory_space<vmem>>
    %dma_wait3A_547 = arith.constant 0 : i32
    %dma_wait3A_548 = tpu.memref_slice %arg5[%dma_wait3A_539, %dma_wait3A_540, %dma_wait3A_547] : memref<2x4x128xi32, #tpu.memory_space<vmem>> -> memref<1x1x128xi32, #tpu.memory_space<vmem>>
    %dma_wait3A_549 = tpu.memref_squeeze %dma_wait3A_548 : memref<1x1x128xi32, #tpu.memory_space<vmem>> -> memref<128xi32, #tpu.memory_space<vmem>>
    %dma_wait3A_550 = arith.constant 0 : i32
    %dma_wait3A_551 = arith.constant 0 : i32
    %dma_wait3A_552 = tpu.memref_slice %arg7[%dma_wait3A_550, %dma_wait3A_551] : memref<8193x64xf32, #tpu.memory_space<vmem_shared>> -> memref<8193x64xf32, #tpu.memory_space<vmem_shared>>
    tpu.wait_indirect_dma semaphore(%arg10 : memref<!tpu.dma_semaphore, #tpu.memory_space<semaphore_mem>>) src(%dma_wait3A_552 : memref<8193x64xf32, #tpu.memory_space<vmem_shared>>) dst(%dma_wait3A_546 : memref<128x64xf32, #tpu.memory_space<vmem>>)
    %dma_wait3A_553 = arith.constant 0 : i32
    %dma_wait3A_554 = arith.constant 1 : i32
    %dma_wait3A_555 = arith.constant 0 : i32
    %dma_wait3A_556 = arith.constant 1 : i32
    %dma_wait3A_557 = arith.constant 0 : i32
    %dma_wait3A_558 = arith.constant 0 : i32
    %dma_wait3A_559 = tpu.memref_slice %arg6[%dma_wait3A_555, %dma_wait3A_556, %dma_wait3A_557, %dma_wait3A_558] : memref<2x4x128x64xf32, #tpu.memory_space<vmem>> -> memref<1x1x128x64xf32, #tpu.memory_space<vmem>>
    %dma_wait3A_560 = tpu.memref_squeeze %dma_wait3A_559 : memref<1x1x128x64xf32, #tpu.memory_space<vmem>> -> memref<128x64xf32, #tpu.memory_space<vmem>>
    %dma_wait3A_561 = arith.constant 0 : i32
    %dma_wait3A_562 = tpu.memref_slice %arg5[%dma_wait3A_553, %dma_wait3A_554, %dma_wait3A_561] : memref<2x4x128xi32, #tpu.memory_space<vmem>> -> memref<1x1x128xi32, #tpu.memory_space<vmem>>
    %dma_wait3A_563 = tpu.memref_squeeze %dma_wait3A_562 : memref<1x1x128xi32, #tpu.memory_space<vmem>> -> memref<128xi32, #tpu.memory_space<vmem>>
    %dma_wait3A_564 = arith.constant 0 : i32
    %dma_wait3A_565 = arith.constant 0 : i32
    %dma_wait3A_566 = tpu.memref_slice %arg7[%dma_wait3A_564, %dma_wait3A_565] : memref<8193x64xf32, #tpu.memory_space<vmem_shared>> -> memref<8193x64xf32, #tpu.memory_space<vmem_shared>>
    tpu.wait_indirect_dma semaphore(%arg10 : memref<!tpu.dma_semaphore, #tpu.memory_space<semaphore_mem>>) src(%dma_wait3A_566 : memref<8193x64xf32, #tpu.memory_space<vmem_shared>>) dst(%dma_wait3A_560 : memref<128x64xf32, #tpu.memory_space<vmem>>)
    %dma_wait3A_567 = arith.constant 0 : i32
    %dma_wait3A_568 = arith.constant 2 : i32
    %dma_wait3A_569 = arith.constant 0 : i32
    %dma_wait3A_570 = arith.constant 2 : i32
    %dma_wait3A_571 = arith.constant 0 : i32
    %dma_wait3A_572 = arith.constant 0 : i32
    %dma_wait3A_573 = tpu.memref_slice %arg6[%dma_wait3A_569, %dma_wait3A_570, %dma_wait3A_571, %dma_wait3A_572] : memref<2x4x128x64xf32, #tpu.memory_space<vmem>> -> memref<1x1x128x64xf32, #tpu.memory_space<vmem>>
    %dma_wait3A_574 = tpu.memref_squeeze %dma_wait3A_573 : memref<1x1x128x64xf32, #tpu.memory_space<vmem>> -> memref<128x64xf32, #tpu.memory_space<vmem>>
    %dma_wait3A_575 = arith.constant 0 : i32
    %dma_wait3A_576 = tpu.memref_slice %arg5[%dma_wait3A_567, %dma_wait3A_568, %dma_wait3A_575] : memref<2x4x128xi32, #tpu.memory_space<vmem>> -> memref<1x1x128xi32, #tpu.memory_space<vmem>>
    %dma_wait3A_577 = tpu.memref_squeeze %dma_wait3A_576 : memref<1x1x128xi32, #tpu.memory_space<vmem>> -> memref<128xi32, #tpu.memory_space<vmem>>
    %dma_wait3A_578 = arith.constant 0 : i32
    %dma_wait3A_579 = arith.constant 0 : i32
    %dma_wait3A_580 = tpu.memref_slice %arg7[%dma_wait3A_578, %dma_wait3A_579] : memref<8193x64xf32, #tpu.memory_space<vmem_shared>> -> memref<8193x64xf32, #tpu.memory_space<vmem_shared>>
    tpu.wait_indirect_dma semaphore(%arg10 : memref<!tpu.dma_semaphore, #tpu.memory_space<semaphore_mem>>) src(%dma_wait3A_580 : memref<8193x64xf32, #tpu.memory_space<vmem_shared>>) dst(%dma_wait3A_574 : memref<128x64xf32, #tpu.memory_space<vmem>>)
    %dma_wait3A_581 = arith.constant 0 : i32
    %dma_wait3A_582 = arith.constant 3 : i32
    %dma_wait3A_583 = arith.constant 0 : i32
    %dma_wait3A_584 = arith.constant 3 : i32
    %dma_wait3A_585 = arith.constant 0 : i32
    %dma_wait3A_586 = arith.constant 0 : i32
    %dma_wait3A_587 = tpu.memref_slice %arg6[%dma_wait3A_583, %dma_wait3A_584, %dma_wait3A_585, %dma_wait3A_586] : memref<2x4x128x64xf32, #tpu.memory_space<vmem>> -> memref<1x1x128x64xf32, #tpu.memory_space<vmem>>
    %dma_wait3A_588 = tpu.memref_squeeze %dma_wait3A_587 : memref<1x1x128x64xf32, #tpu.memory_space<vmem>> -> memref<128x64xf32, #tpu.memory_space<vmem>>
    %dma_wait3A_589 = arith.constant 0 : i32
    %dma_wait3A_590 = tpu.memref_slice %arg5[%dma_wait3A_581, %dma_wait3A_582, %dma_wait3A_589] : memref<2x4x128xi32, #tpu.memory_space<vmem>> -> memref<1x1x128xi32, #tpu.memory_space<vmem>>
    %dma_wait3A_591 = tpu.memref_squeeze %dma_wait3A_590 : memref<1x1x128xi32, #tpu.memory_space<vmem>> -> memref<128xi32, #tpu.memory_space<vmem>>
    %dma_wait3A_592 = arith.constant 0 : i32
    %dma_wait3A_593 = arith.constant 0 : i32
    %dma_wait3A_594 = tpu.memref_slice %arg7[%dma_wait3A_592, %dma_wait3A_593] : memref<8193x64xf32, #tpu.memory_space<vmem_shared>> -> memref<8193x64xf32, #tpu.memory_space<vmem_shared>>
    tpu.wait_indirect_dma semaphore(%arg10 : memref<!tpu.dma_semaphore, #tpu.memory_space<semaphore_mem>>) src(%dma_wait3A_594 : memref<8193x64xf32, #tpu.memory_space<vmem_shared>>) dst(%dma_wait3A_588 : memref<128x64xf32, #tpu.memory_space<vmem>>)
    %add3A_595 = arith.constant 792 : i32
    %add3A_596 = arith.addi %mul3A_2, %add3A_595 : i32
    %dma_start3A_597 = arith.constant 0 : i32
    %dma_start3A_598 = arith.constant 0 : i32
    %dma_start3A_599 = arith.constant 0 : i32
    %dma_start3A_600 = arith.constant 0 : i32
    %dma_start3A_601 = tpu.memref_slice %arg6[%dma_start3A_597, %dma_start3A_598, %dma_start3A_599, %dma_start3A_600] : memref<2x4x128x64xf32, #tpu.memory_space<vmem>> -> memref<1x4x128x64xf32, #tpu.memory_space<vmem>>
    %dma_start3A_602 = tpu.memref_squeeze %dma_start3A_601 : memref<1x4x128x64xf32, #tpu.memory_space<vmem>> -> memref<4x128x64xf32, #tpu.memory_space<vmem>>
    %dma_start3A_603 = arith.constant 0 : i32
    %dma_start3A_604 = arith.constant 0 : i32
    %dma_start3A_605 = tpu.memref_slice %arg4[%add3A_596, %dma_start3A_603, %dma_start3A_604] : memref<25600x128x64xf32, #tpu.memory_space<hbm>> -> memref<4x128x64xf32, #tpu.memory_space<hbm>>
    %dma_start3A_606 = arith.constant 0 : i32
    %dma_start3A_607 = arith.constant 0 : i32
    %dma_start3A_608 = tpu.memref_slice %arg4[%add3A_596, %dma_start3A_606, %dma_start3A_607] : memref<25600x128x64xf32, #tpu.memory_space<hbm>> -> memref<4x128x64xf32, #tpu.memory_space<hbm>>
    %dma_start3A_609 = arith.constant 0 : i32
    %dma_start3A_610 = arith.constant 0 : i32
    %dma_start3A_611 = arith.constant 0 : i32
    %dma_start3A_612 = tpu.memref_slice %arg6[%dma_start3A_597, %dma_start3A_609, %dma_start3A_610, %dma_start3A_611] : memref<2x4x128x64xf32, #tpu.memory_space<vmem>> -> memref<1x4x128x64xf32, #tpu.memory_space<vmem>>
    %dma_start3A_613 = tpu.memref_squeeze %dma_start3A_612 : memref<1x4x128x64xf32, #tpu.memory_space<vmem>> -> memref<4x128x64xf32, #tpu.memory_space<vmem>>
    tpu.enqueue_dma source(%dma_start3A_613 : memref<4x128x64xf32, #tpu.memory_space<vmem>>) target(%dma_start3A_608 : memref<4x128x64xf32, #tpu.memory_space<hbm>>) target_semaphore(%arg12 : memref<!tpu.dma_semaphore, #tpu.memory_space<semaphore_mem>>)
    %dma_wait3A_614 = arith.constant 1 : i32
    %dma_wait3A_615 = arith.constant 0 : i32
    %dma_wait3A_616 = arith.constant 1 : i32
    %dma_wait3A_617 = arith.constant 0 : i32
    %dma_wait3A_618 = arith.constant 0 : i32
    %dma_wait3A_619 = arith.constant 0 : i32
    %dma_wait3A_620 = tpu.memref_slice %arg6[%dma_wait3A_616, %dma_wait3A_617, %dma_wait3A_618, %dma_wait3A_619] : memref<2x4x128x64xf32, #tpu.memory_space<vmem>> -> memref<1x1x128x64xf32, #tpu.memory_space<vmem>>
    %dma_wait3A_621 = tpu.memref_squeeze %dma_wait3A_620 : memref<1x1x128x64xf32, #tpu.memory_space<vmem>> -> memref<128x64xf32, #tpu.memory_space<vmem>>
    %dma_wait3A_622 = arith.constant 0 : i32
    %dma_wait3A_623 = tpu.memref_slice %arg5[%dma_wait3A_614, %dma_wait3A_615, %dma_wait3A_622] : memref<2x4x128xi32, #tpu.memory_space<vmem>> -> memref<1x1x128xi32, #tpu.memory_space<vmem>>
    %dma_wait3A_624 = tpu.memref_squeeze %dma_wait3A_623 : memref<1x1x128xi32, #tpu.memory_space<vmem>> -> memref<128xi32, #tpu.memory_space<vmem>>
    %dma_wait3A_625 = arith.constant 0 : i32
    %dma_wait3A_626 = arith.constant 0 : i32
    %dma_wait3A_627 = tpu.memref_slice %arg7[%dma_wait3A_625, %dma_wait3A_626] : memref<8193x64xf32, #tpu.memory_space<vmem_shared>> -> memref<8193x64xf32, #tpu.memory_space<vmem_shared>>
    tpu.wait_indirect_dma semaphore(%arg11 : memref<!tpu.dma_semaphore, #tpu.memory_space<semaphore_mem>>) src(%dma_wait3A_627 : memref<8193x64xf32, #tpu.memory_space<vmem_shared>>) dst(%dma_wait3A_621 : memref<128x64xf32, #tpu.memory_space<vmem>>)
    %dma_wait3A_628 = arith.constant 1 : i32
    %dma_wait3A_629 = arith.constant 1 : i32
    %dma_wait3A_630 = arith.constant 1 : i32
    %dma_wait3A_631 = arith.constant 1 : i32
    %dma_wait3A_632 = arith.constant 0 : i32
    %dma_wait3A_633 = arith.constant 0 : i32
    %dma_wait3A_634 = tpu.memref_slice %arg6[%dma_wait3A_630, %dma_wait3A_631, %dma_wait3A_632, %dma_wait3A_633] : memref<2x4x128x64xf32, #tpu.memory_space<vmem>> -> memref<1x1x128x64xf32, #tpu.memory_space<vmem>>
    %dma_wait3A_635 = tpu.memref_squeeze %dma_wait3A_634 : memref<1x1x128x64xf32, #tpu.memory_space<vmem>> -> memref<128x64xf32, #tpu.memory_space<vmem>>
    %dma_wait3A_636 = arith.constant 0 : i32
    %dma_wait3A_637 = tpu.memref_slice %arg5[%dma_wait3A_628, %dma_wait3A_629, %dma_wait3A_636] : memref<2x4x128xi32, #tpu.memory_space<vmem>> -> memref<1x1x128xi32, #tpu.memory_space<vmem>>
    %dma_wait3A_638 = tpu.memref_squeeze %dma_wait3A_637 : memref<1x1x128xi32, #tpu.memory_space<vmem>> -> memref<128xi32, #tpu.memory_space<vmem>>
    %dma_wait3A_639 = arith.constant 0 : i32
    %dma_wait3A_640 = arith.constant 0 : i32
    %dma_wait3A_641 = tpu.memref_slice %arg7[%dma_wait3A_639, %dma_wait3A_640] : memref<8193x64xf32, #tpu.memory_space<vmem_shared>> -> memref<8193x64xf32, #tpu.memory_space<vmem_shared>>
    tpu.wait_indirect_dma semaphore(%arg11 : memref<!tpu.dma_semaphore, #tpu.memory_space<semaphore_mem>>) src(%dma_wait3A_641 : memref<8193x64xf32, #tpu.memory_space<vmem_shared>>) dst(%dma_wait3A_635 : memref<128x64xf32, #tpu.memory_space<vmem>>)
    %dma_wait3A_642 = arith.constant 1 : i32
    %dma_wait3A_643 = arith.constant 2 : i32
    %dma_wait3A_644 = arith.constant 1 : i32
    %dma_wait3A_645 = arith.constant 2 : i32
    %dma_wait3A_646 = arith.constant 0 : i32
    %dma_wait3A_647 = arith.constant 0 : i32
    %dma_wait3A_648 = tpu.memref_slice %arg6[%dma_wait3A_644, %dma_wait3A_645, %dma_wait3A_646, %dma_wait3A_647] : memref<2x4x128x64xf32, #tpu.memory_space<vmem>> -> memref<1x1x128x64xf32, #tpu.memory_space<vmem>>
    %dma_wait3A_649 = tpu.memref_squeeze %dma_wait3A_648 : memref<1x1x128x64xf32, #tpu.memory_space<vmem>> -> memref<128x64xf32, #tpu.memory_space<vmem>>
    %dma_wait3A_650 = arith.constant 0 : i32
    %dma_wait3A_651 = tpu.memref_slice %arg5[%dma_wait3A_642, %dma_wait3A_643, %dma_wait3A_650] : memref<2x4x128xi32, #tpu.memory_space<vmem>> -> memref<1x1x128xi32, #tpu.memory_space<vmem>>
    %dma_wait3A_652 = tpu.memref_squeeze %dma_wait3A_651 : memref<1x1x128xi32, #tpu.memory_space<vmem>> -> memref<128xi32, #tpu.memory_space<vmem>>
    %dma_wait3A_653 = arith.constant 0 : i32
    %dma_wait3A_654 = arith.constant 0 : i32
    %dma_wait3A_655 = tpu.memref_slice %arg7[%dma_wait3A_653, %dma_wait3A_654] : memref<8193x64xf32, #tpu.memory_space<vmem_shared>> -> memref<8193x64xf32, #tpu.memory_space<vmem_shared>>
    tpu.wait_indirect_dma semaphore(%arg11 : memref<!tpu.dma_semaphore, #tpu.memory_space<semaphore_mem>>) src(%dma_wait3A_655 : memref<8193x64xf32, #tpu.memory_space<vmem_shared>>) dst(%dma_wait3A_649 : memref<128x64xf32, #tpu.memory_space<vmem>>)
    %dma_wait3A_656 = arith.constant 1 : i32
    %dma_wait3A_657 = arith.constant 3 : i32
    %dma_wait3A_658 = arith.constant 1 : i32
    %dma_wait3A_659 = arith.constant 3 : i32
    %dma_wait3A_660 = arith.constant 0 : i32
    %dma_wait3A_661 = arith.constant 0 : i32
    %dma_wait3A_662 = tpu.memref_slice %arg6[%dma_wait3A_658, %dma_wait3A_659, %dma_wait3A_660, %dma_wait3A_661] : memref<2x4x128x64xf32, #tpu.memory_space<vmem>> -> memref<1x1x128x64xf32, #tpu.memory_space<vmem>>
    %dma_wait3A_663 = tpu.memref_squeeze %dma_wait3A_662 : memref<1x1x128x64xf32, #tpu.memory_space<vmem>> -> memref<128x64xf32, #tpu.memory_space<vmem>>
    %dma_wait3A_664 = arith.constant 0 : i32
    %dma_wait3A_665 = tpu.memref_slice %arg5[%dma_wait3A_656, %dma_wait3A_657, %dma_wait3A_664] : memref<2x4x128xi32, #tpu.memory_space<vmem>> -> memref<1x1x128xi32, #tpu.memory_space<vmem>>
    %dma_wait3A_666 = tpu.memref_squeeze %dma_wait3A_665 : memref<1x1x128xi32, #tpu.memory_space<vmem>> -> memref<128xi32, #tpu.memory_space<vmem>>
    %dma_wait3A_667 = arith.constant 0 : i32
    %dma_wait3A_668 = arith.constant 0 : i32
    %dma_wait3A_669 = tpu.memref_slice %arg7[%dma_wait3A_667, %dma_wait3A_668] : memref<8193x64xf32, #tpu.memory_space<vmem_shared>> -> memref<8193x64xf32, #tpu.memory_space<vmem_shared>>
    tpu.wait_indirect_dma semaphore(%arg11 : memref<!tpu.dma_semaphore, #tpu.memory_space<semaphore_mem>>) src(%dma_wait3A_669 : memref<8193x64xf32, #tpu.memory_space<vmem_shared>>) dst(%dma_wait3A_663 : memref<128x64xf32, #tpu.memory_space<vmem>>)
    %add3A_670 = arith.constant 796 : i32
    %add3A_671 = arith.addi %mul3A_2, %add3A_670 : i32
    %dma_start3A_672 = arith.constant 1 : i32
    %dma_start3A_673 = arith.constant 0 : i32
    %dma_start3A_674 = arith.constant 0 : i32
    %dma_start3A_675 = arith.constant 0 : i32
    %dma_start3A_676 = tpu.memref_slice %arg6[%dma_start3A_672, %dma_start3A_673, %dma_start3A_674, %dma_start3A_675] : memref<2x4x128x64xf32, #tpu.memory_space<vmem>> -> memref<1x4x128x64xf32, #tpu.memory_space<vmem>>
    %dma_start3A_677 = tpu.memref_squeeze %dma_start3A_676 : memref<1x4x128x64xf32, #tpu.memory_space<vmem>> -> memref<4x128x64xf32, #tpu.memory_space<vmem>>
    %dma_start3A_678 = arith.constant 0 : i32
    %dma_start3A_679 = arith.constant 0 : i32
    %dma_start3A_680 = tpu.memref_slice %arg4[%add3A_671, %dma_start3A_678, %dma_start3A_679] : memref<25600x128x64xf32, #tpu.memory_space<hbm>> -> memref<4x128x64xf32, #tpu.memory_space<hbm>>
    %dma_start3A_681 = arith.constant 0 : i32
    %dma_start3A_682 = arith.constant 0 : i32
    %dma_start3A_683 = tpu.memref_slice %arg4[%add3A_671, %dma_start3A_681, %dma_start3A_682] : memref<25600x128x64xf32, #tpu.memory_space<hbm>> -> memref<4x128x64xf32, #tpu.memory_space<hbm>>
    %dma_start3A_684 = arith.constant 0 : i32
    %dma_start3A_685 = arith.constant 0 : i32
    %dma_start3A_686 = arith.constant 0 : i32
    %dma_start3A_687 = tpu.memref_slice %arg6[%dma_start3A_672, %dma_start3A_684, %dma_start3A_685, %dma_start3A_686] : memref<2x4x128x64xf32, #tpu.memory_space<vmem>> -> memref<1x4x128x64xf32, #tpu.memory_space<vmem>>
    %dma_start3A_688 = tpu.memref_squeeze %dma_start3A_687 : memref<1x4x128x64xf32, #tpu.memory_space<vmem>> -> memref<4x128x64xf32, #tpu.memory_space<vmem>>
    tpu.enqueue_dma source(%dma_start3A_688 : memref<4x128x64xf32, #tpu.memory_space<vmem>>) target(%dma_start3A_683 : memref<4x128x64xf32, #tpu.memory_space<hbm>>) target_semaphore(%arg13 : memref<!tpu.dma_semaphore, #tpu.memory_space<semaphore_mem>>)
    %add3A_689 = arith.constant 792 : i32
    %add3A_690 = arith.addi %mul3A_2, %add3A_689 : i32
    %dma_wait3A_691 = arith.constant 0 : i32
    %dma_wait3A_692 = arith.constant 0 : i32
    %dma_wait3A_693 = arith.constant 0 : i32
    %dma_wait3A_694 = arith.constant 0 : i32
    %dma_wait3A_695 = tpu.memref_slice %arg6[%dma_wait3A_691, %dma_wait3A_692, %dma_wait3A_693, %dma_wait3A_694] : memref<2x4x128x64xf32, #tpu.memory_space<vmem>> -> memref<1x4x128x64xf32, #tpu.memory_space<vmem>>
    %dma_wait3A_696 = tpu.memref_squeeze %dma_wait3A_695 : memref<1x4x128x64xf32, #tpu.memory_space<vmem>> -> memref<4x128x64xf32, #tpu.memory_space<vmem>>
    %dma_wait3A_697 = arith.constant 0 : i32
    %dma_wait3A_698 = arith.constant 0 : i32
    %dma_wait3A_699 = tpu.memref_slice %arg4[%add3A_690, %dma_wait3A_697, %dma_wait3A_698] : memref<25600x128x64xf32, #tpu.memory_space<hbm>> -> memref<4x128x64xf32, #tpu.memory_space<hbm>>
    %dma_wait3A_700 = arith.constant 0 : i32
    %dma_wait3A_701 = arith.constant 0 : i32
    %dma_wait3A_702 = tpu.memref_slice %arg4[%add3A_690, %dma_wait3A_700, %dma_wait3A_701] : memref<25600x128x64xf32, #tpu.memory_space<hbm>> -> memref<4x128x64xf32, #tpu.memory_space<hbm>>
    %dma_wait3A_703 = arith.constant 0 : i32
    %dma_wait3A_704 = arith.constant 0 : i32
    %dma_wait3A_705 = arith.constant 0 : i32
    %dma_wait3A_706 = tpu.memref_slice %arg6[%dma_wait3A_691, %dma_wait3A_703, %dma_wait3A_704, %dma_wait3A_705] : memref<2x4x128x64xf32, #tpu.memory_space<vmem>> -> memref<1x4x128x64xf32, #tpu.memory_space<vmem>>
    %dma_wait3A_707 = tpu.memref_squeeze %dma_wait3A_706 : memref<1x4x128x64xf32, #tpu.memory_space<vmem>> -> memref<4x128x64xf32, #tpu.memory_space<vmem>>
    tpu.wait_dma2 semaphore(%arg12 : memref<!tpu.dma_semaphore, #tpu.memory_space<semaphore_mem>>) src(%dma_wait3A_707 : memref<4x128x64xf32, #tpu.memory_space<vmem>>) dst(%dma_wait3A_702 : memref<4x128x64xf32, #tpu.memory_space<hbm>>)
    %add3A_708 = arith.constant 796 : i32
    %add3A_709 = arith.addi %mul3A_2, %add3A_708 : i32
    %dma_wait3A_710 = arith.constant 1 : i32
    %dma_wait3A_711 = arith.constant 0 : i32
    %dma_wait3A_712 = arith.constant 0 : i32
    %dma_wait3A_713 = arith.constant 0 : i32
    %dma_wait3A_714 = tpu.memref_slice %arg6[%dma_wait3A_710, %dma_wait3A_711, %dma_wait3A_712, %dma_wait3A_713] : memref<2x4x128x64xf32, #tpu.memory_space<vmem>> -> memref<1x4x128x64xf32, #tpu.memory_space<vmem>>
    %dma_wait3A_715 = tpu.memref_squeeze %dma_wait3A_714 : memref<1x4x128x64xf32, #tpu.memory_space<vmem>> -> memref<4x128x64xf32, #tpu.memory_space<vmem>>
    %dma_wait3A_716 = arith.constant 0 : i32
    %dma_wait3A_717 = arith.constant 0 : i32
    %dma_wait3A_718 = tpu.memref_slice %arg4[%add3A_709, %dma_wait3A_716, %dma_wait3A_717] : memref<25600x128x64xf32, #tpu.memory_space<hbm>> -> memref<4x128x64xf32, #tpu.memory_space<hbm>>
    %dma_wait3A_719 = arith.constant 0 : i32
    %dma_wait3A_720 = arith.constant 0 : i32
    %dma_wait3A_721 = tpu.memref_slice %arg4[%add3A_709, %dma_wait3A_719, %dma_wait3A_720] : memref<25600x128x64xf32, #tpu.memory_space<hbm>> -> memref<4x128x64xf32, #tpu.memory_space<hbm>>
    %dma_wait3A_722 = arith.constant 0 : i32
    %dma_wait3A_723 = arith.constant 0 : i32
    %dma_wait3A_724 = arith.constant 0 : i32
    %dma_wait3A_725 = tpu.memref_slice %arg6[%dma_wait3A_710, %dma_wait3A_722, %dma_wait3A_723, %dma_wait3A_724] : memref<2x4x128x64xf32, #tpu.memory_space<vmem>> -> memref<1x4x128x64xf32, #tpu.memory_space<vmem>>
    %dma_wait3A_726 = tpu.memref_squeeze %dma_wait3A_725 : memref<1x4x128x64xf32, #tpu.memory_space<vmem>> -> memref<4x128x64xf32, #tpu.memory_space<vmem>>
    tpu.wait_dma2 semaphore(%arg13 : memref<!tpu.dma_semaphore, #tpu.memory_space<semaphore_mem>>) src(%dma_wait3A_726 : memref<4x128x64xf32, #tpu.memory_space<vmem>>) dst(%dma_wait3A_721 : memref<4x128x64xf32, #tpu.memory_space<hbm>>)
    return
  }
}

</mosaic_0001>

<sc_bundles>
// kernel: _gather.3.cloned.1.call-start
scs
__scs_entry_jumppad:
0x0: {  	(pc) =	sbr.rel $0x88, $3  }
0x1: {  	(tag) =	ssettag $0x0;
	lr =	simm.s32 $0x1  }
0x2: {  	[smem:$0x3F9F] =	sst lr;
	_ =	strace $0xD0000000  }
0x3: {  	_ = 	snop  }
0x4: {  	_ = 	snop  }
0x5: {  	_ = 	snop  }
0x6: {  	_ = 	snop  }
0x7: {  	_ = 	snop  }
__scs_overlays_trampoline_lowered:
0x8: {  	[smem:$0x3FAE] =	sst s0  }
0x9: {  	[smem:$0x3FAF] =	sst s1  }
0xa: {  	[smem:$0x3FB0] =	sst s2  }
0xb: {  	[smem:$0x3FB1] =	sst s3  }
0xc: {  	[smem:$0x3FB2] =	sst s4  }
0xd: {  	[smem:$0x3FB3] =	sst s5  }
0xe: {  	[smem:$0x3FB4] =	sst s6  }
0xf: {  	[smem:$0x3FB5] =	sst s7  }
0x10: {  	[smem:$0x3FB6] =	sst s8  }
0x11: {  	[smem:$0x3FB7] =	sst s9;
	s0 =	simm.s32 @!p0 $0x0  }
0x12: {  	s1 =	sld [smem:$0x3F9D];
	s0 =	simm.s32 @p0 $0x1  }
0x13: {  	[smem:$0x3FB8] =	sst s0;
	s0 =	simm.s32 @!p1 $0x0  }
0x14: {  	s2 =	sld [smem:$0x3F9C];
	s0 =	simm.s32 @p1 $0x1  }
0x15: {  	[smem:$0x3FB9] =	sst s0;
	s0 =	simm.s32 @!p2 $0x0  }
0x16: {  	s3 =	sld [smem:$0x3FDB];
	s0 =	simm.s32 @p2 $0x1  }
0x17: {  	s4 =	simm.s32 $0x1BF5;
	[smem:$0x3FBB] =	sst s0  }
0x18: {  	s0 =	sld [smem:$0x3F9E];
	_ =	swait.ge [sflag:s4], $0x0  }
0x19: {  	s7 =	sld [smem:$0x3F9F]  }
0x1a: {  	s8 =	sadd.s32 $0xFFFFE003, lr  }
0x1b: {  	s9 =	sadd.s32 $0xFFFFFEF7, lr;
	s5 =	simm.s32 $0xFFFFFFFF;
	p2 =	slt.u32 s8, $0xFFFFF086  }
0x1c: {  	p1 =	slt.u32 s9, $0xF7A;
	s5 =	simm.s32 @!p2 $0x0  }
0x1d: {  	s5 =	simm.s32 @p1 $0x1;
	p0 =	seq.s32 s7, s2  }
0x1e: {  	s7 =	smul.u32 @!p0 $0xF7A, s2;
	p2 =	seq.s32 @!p0 s5, $0x0  }
0x1f: {  	s9 =	smul.u32 $0xF7A, s1;
	s8 =	simm.s32 @!p0 $0x1BF5;
	p2 =	por !p2, p0  }
0x20: {  	[sflag:s8] =	ssyncset.s32 @!p0 $0xFFFFF086;
	s6 =	sadd.s32 @!p0 s3, s7;
	s7 =	simm.s32 @!p0 $0x108  }
0x21: {  	s3 =	sadd.s32 s3, s9;
	s6 =	sadd.s32 @!p0 $0x88, s6;
	s7 =	simm.s32 @p2 $0x1082  }
0x22: {  	[simem:s7], [sflag:s8] =	dma.local @!p0 [hbm:s6], $0xF7A  }
0x23: {  	s9 =	sor.u32 $0xD0000000, s2;
	s6 =	simm.s32 $0x108;
	_ =	swait.ge @!p0 [sflag:s8], $0x0  }
0x24: {  	s3 =	sadd.s32 $0x88, s3;
	s6 =	simm.s32 @!p1 $0x1082;
	[sflag:s4] =	ssyncset.s32 $0xFFFFF086  }
0x25: {  	[simem:s6], [sflag:s4] =	dma.local [hbm:s3], $0xF7A  }
0x26: {  	[smem:$0x3F9F] =	sst s1;
	(tag) =	ssettag s2;
	_ =	strace s9  }
0x27: {  	s1 =	sld [smem:$0x3FAF]  }
0x28: {  	s2 =	sld [smem:$0x3FB0]  }
0x29: {  	s4 =	sld [smem:$0x3FB2]  }
0x2a: {  	p0 =	seq.s32 s5, $0x0;
	s5 =	sld [smem:$0x3FB3]  }
0x2b: {  	s6 =	sld [smem:$0x3FB4]  }
0x2c: {  	s7 =	sld [smem:$0x3FB5]  }
0x2d: {  	s3 =	simm.s32 $0x108;
	s8 =	sld [smem:$0x3FB6]  }
0x2e: {  	s3 =	simm.s32 @!p0 $0x1082;
	s9 =	sld [smem:$0x3FB7]  }
0x2f: {  	lr =	sadd.s32 s0, s3;
	s0 =	sld [smem:$0x3FAE]  }
0x30: {  	s3 =	sld [smem:$0x3FB1]  }
0x31: {  	[smem:$0x3FBA] =	sst s10  }
0x32: {  	s10 =	sld [smem:$0x3FB8];
	_ =	sdelay $0x3  }
0x33: {  	p0 =	seq.s32 s10, $0x1;
	s10 =	sld [smem:$0x3FBA];
	_ =	sdelay $0x3  }
0x34: {  	[smem:$0x3FBA] =	sst s10  }
0x35: {  	s10 =	sld [smem:$0x3FB9];
	_ =	sdelay $0x3  }
0x36: {  	p1 =	seq.s32 s10, $0x1;
	s10 =	sld [smem:$0x3FBA];
	_ =	sdelay $0x3  }
0x37: {  	[smem:$0x3FBA] =	sst s10  }
0x38: {  	s10 =	sld [smem:$0x3FBB]  }
0x39: {  	_ = 	snop;
	(pc) =	sbr.ind lr, $3  }
0x3a: {  	_ = 	snop  }
0x3b: {  	_ = 	snop  }
0x3c: {  	p2 =	seq.s32 s10, $0x1;
	s10 =	sld [smem:$0x3FBA]  }
0x3d: {  	_ =	shalt  }
0x3e: {  	_ =	shalt  }
0x3f: {  	_ =	shalt  }
0x40: {  	_ =	shalt  }
0x41: {  	_ =	shalt  }
0x42: {  	_ =	shalt  }
0x43: {  	_ =	shalt  }
0x44: {  	_ =	shalt  }
0x45: {  	_ =	shalt  }
0x46: {  	_ =	shalt  }
0x47: {  	_ =	shalt  }
0x48: {  	_ =	shalt  }
0x49: {  	_ =	shalt  }
0x4a: {  	_ =	shalt  }
0x4b: {  	_ =	shalt  }
0x4c: {  	_ =	shalt  }
0x4d: {  	_ =	shalt  }
0x4e: {  	_ =	shalt  }
0x4f: {  	_ =	shalt  }
0x50: {  	_ =	shalt  }
0x51: {  	_ =	shalt  }
0x52: {  	_ =	shalt  }
0x53: {  	_ =	shalt  }
0x54: {  	_ =	shalt  }
0x55: {  	_ =	shalt  }
0x56: {  	_ =	shalt  }
0x57: {  	_ =	shalt  }
0x58: {  	_ =	shalt  }
0x59: {  	_ =	shalt  }
0x5a: {  	_ =	shalt  }
0x5b: {  	_ =	shalt  }
0x5c: {  	_ =	shalt  }
0x5d: {  	_ =	shalt  }
0x5e: {  	_ =	shalt  }
0x5f: {  	_ =	shalt  }
0x60: {  	_ =	shalt  }
0x61: {  	_ =	shalt  }
0x62: {  	_ =	shalt  }
0x63: {  	_ =	shalt  }
0x64: {  	_ =	shalt  }
0x65: {  	_ =	shalt  }
0x66: {  	_ =	shalt  }
0x67: {  	_ =	shalt  }
0x68: {  	_ =	shalt  }
0x69: {  	_ =	shalt  }
0x6a: {  	_ =	shalt  }
0x6b: {  	_ =	shalt  }
0x6c: {  	_ =	shalt  }
0x6d: {  	_ =	shalt  }
0x6e: {  	_ =	shalt  }
0x6f: {  	_ =	shalt  }
0x70: {  	_ =	shalt  }
0x71: {  	_ =	shalt  }
0x72: {  	_ =	shalt  }
0x73: {  	_ =	shalt  }
0x74: {  	_ =	shalt  }
0x75: {  	_ =	shalt  }
0x76: {  	_ =	shalt  }
0x77: {  	_ =	shalt  }
0x78: {  	_ =	shalt  }
0x79: {  	_ =	shalt  }
0x7a: {  	_ =	shalt  }
0x7b: {  	_ =	shalt  }
0x7c: {  	_ =	shalt  }
0x7d: {  	_ =	shalt  }
0x7e: {  	_ =	shalt  }
0x7f: {  	_ =	shalt  }
0x80: {  	_ =	shalt  }
0x81: {  	_ =	shalt  }
0x82: {  	_ =	shalt  }
0x83: {  	_ =	shalt  }
0x84: {  	_ =	shalt  }
0x85: {  	_ =	shalt  }
0x86: {  	_ =	shalt  }
0x87: {  	_ =	shalt  }
.Lfunc_end0:
.L_simem_size_0:
called_computation.1_lowered:
.L_overlay_start_0:
0x88: {  	s2 =	sld [smem:$0x3FD9]  }
0x89: {  	s3 =	sld [smem:$0x3FFE];
	_ =	sdelay $0x1  }
0x8a: {  	s1 =	srdreg.scid  }
0x8b: {  	s0 =	sand.u32 $0x1, s1  }
0x8c: {  	s17 =	sshll.u32 s0, $0xA;
	s2 =	sadd.s32 s3, s2  }
0x8d: {  	s2 =	sadd.s32 s2, s17  }
0x8e: {  	[smem:$0x3FC6] =	sst s2  }
0x8f: {  	_ = 	snop  }
0x90: {  	s2 =	sld [smem:$0x3FC8]  }
0x91: {  	s18 =	sld [smem:$0x3FD0];
	(tm) =	ssettm $0x1  }
0x92: {  	s4 =	sld [smem:$0x3FFB];
	_ =	sdelay $0x3  }
0x93: {  	_ =	strace s4  }
0x94: {  	s4 =	sld [smem:$0x3FFC];
	_ =	sdelay $0x3  }
0x95: {  	_ =	strace s4  }
0x96: {  	s4 =	sld [smem:$0x3FFD];
	_ =	sdelay $0x3  }
0x97: {  	_ =	strace s4  }
0x98: {  	_ =	strace $0x8FFFFFFF  }
0x99: {  	s19 =	sld [smem:$0x3FDB];
	_ =	sdelay $0x1  }
0x9a: {  	s5 =	simm.s32 $_scs_section_size  }
0x9b: {  	s6 =	simm.s32 $_size__tile_overlayer_lowered;
	s7 =	simm.s32 $_tile_overlayer_lowered  }
0x9c: {  	s22 =	simm.s32 $0x1BFF;
	s21 =	sshll.u32 s7, $0x1;
	s4 =	sadd.s32 s5, s19  }
0x9d: {  	s8 =	simm.s32 $0x0;
	s20 =	sshll.u32 s6, $0x1;
	s6 =	sadd.s32 s21, s4  }
0x9e: {  	[timem:s8], [sflag:s22] =	dma.local [hbm:s6], s20  }
0x9f: {  	_ =	swait.ge [sflag:s22], s20  }
0xa0: {  	s5 =	ssub.s32 $0x0, s20;
	[sflag:s22] =	ssyncset.done $0x0  }
0xa1: {  	[sflag:s22] =	ssyncadd.s32 s5;
	_ =	sdelay $0x1  }
0xa2: {  	s23 =	simm.s32 $0x1B8B  }
0xa3: {  	_ =	swait.ge [sflag:s23], $0x1  }
0xa4: {  	[sflag:s23] =	ssyncset.done $0x0  }
0xa5: {  	s25 =	simm.s32 $0x1B8E;
	s24 =	sld [smem:$0x3FFE];
	[sflag:s23] =	ssyncadd.s32 $0xFFFFFFFF  }
0xa6: {  	s26 =	simm.s32 $execute0_lowered;
	[smem:$0x3FD2] =	sst s25  }
0xa7: {  	s6 =	sshll.u32 s26, $0x1;
	_ =	strace $0x80000046;
	[dreg:$0x1] =	wrdreg $0xFFFFFFFF  }
0xa8: {  	s28 =	simm.s32 $_size_execute0_lowered;
	s4 =	sadd.s32 s4, s6;
	[dreg:$0x0] =	wrdreg $0x0  }
0xa9: {  	s6 =	sshll.u32 s28, $0x1;
	[dreg:$0x2] =	wrdreg s4  }
0xaa: {  	[dreg:$0x3] =	wrdreg s6  }
0xab: {  	[dreg:$0x4] =	wrdreg $0xC0  }
0xac: {  	_ =	task [dreg:s8], $0x5FFFF  }
0xad: {  	[dreg:$0x1] =	wrdreg $0xFFFFFFFF  }
0xae: {  	[dreg:$0x0] =	wrdreg $0x60  }
0xaf: {  	[dreg:$0x2] =	wrdreg s24  }
0xb0: {  	[dreg:$0x3] =	wrdreg s2  }
0xb1: {  	[dreg:$0x4] =	wrdreg s18  }
0xb2: {  	[dreg:$0x5] =	wrdreg $0x104000  }
0xb3: {  	[dreg:$0x6] =	wrdreg $0x9  }
0xb4: {  	_ =	task.clear_ibuf [dreg:s8], $0x7FFFF;
	_ =	strace $0x90000046  }
0xb5: {  	s29 =	simm.s32 $0x9;
	_ =	strace $0x80000048  }
0xb6: {  	_ =	swait.ge [sflag:s29], $0x1  }
0xb7: {  	[sflag:s29] =	ssyncadd.s32 $0xFFFFFFFF  }
0xb8: {  	_ =	strace $0x90000048  }
0xb9: {  	_ =	sfence  }
0xba: {  	s30 =	sld [smem:$0x0];
	_ =	sdelay $0x2  }
0xbb: {  	s31 =	sshll.u32 s1, $0xD;
	s1 =	sshrl.u32 s1, $0x2  }
0xbc: {  	s3 =	sand.u32 $0x4000, s31;
	s1 =	sadd.s32 s1, s30  }
0xbd: {  	s0 =	sor.u32 s3, s0;
	s1 =	sshll.u32 s1, $0x11  }
0xbe: {  	s0 =	sor.u32 s1, s0  }
0xbf: {  	s0 =	sadd.s32 $0x8F2B, s0  }
0xc0: {  	[sflag:s0] =	ssyncadd.remote.s32 $0x1  }
0xc1: {  	_ =	sfence.sel $0xFFFF  }
0xc2: {  	[dreg:$0x0] =	wrdreg $0xFFFFFFFF;
	(pc) =	sbr.abs _section_cstart, $3  }
0xc3: {  	[dreg:$0x1] =	wrdreg $0xFFFFFFFF  }
0xc4: {  	_ =	task.clear_ibuf [dreg:s8], $0x2FFFF;
	_ =	strace $0x9FFFFFFF  }
0xc5: {  	(tm) =	ssettm $0x7FFFFFFF  }
tec
execute0_lowered:
.L_overlay_start_1:
0x0: {  	(tag) =	ssettag $0x1  }
0x1: {  	s0 =	rddreg [dreg:$0x0]  }
0x2: {  	s3 =	rddreg [dreg:$0x1]  }
0x3: {  	s1 =	srdreg.scid;
	s4 =	stileid.u32  }
0x4: {  	s5 =	rddreg [dreg:$0x2];
	s26 =	smul.u32 $0xC80000, s4  }
0x5: {  	s28 =	simm.s32 $0x280;
	s6 =	sand.u32 $0x1, s1;
	s16 =	smul.u32 $0x640, s4  }
0x6: {  	s29 =	simm.s32 $0xA400;
	s2 =	sshll.u32 s4, $0x1;
	s12 =	smul.u32 $0x640000, s6  }
0x7: {  	s7 =	sor.u32 s6, s2;
	s10 =	ssub.s32 $0x2, s6;
	s6 =	smul.u32 $0x320, s6  }
0x8: {  	s30 =	simm.s32 $0x300;
	s31 =	simm.s32 $0xC400;
	s8 =	smul.u32 $0x320, s7  }
0x9: {  	s1 =	rddreg [dreg:$0x3];
	s0 =	sadd.s32 $0x800, s0;
	s9 =	smul.u32 $0x3200, s7  }
0xa: {  	p0 =	sne.s32 s4, $0x0;
	s2 =	simm.s32 $0x0;
	s11 =	smul.u32 $0xC8000, s7  }
0xb: {  	[smem:$0x7FF] =	sst s2;
	s25 =	sshrl.u32 s10, $0x1;
	s7 =	smul.u32 $0x640000, s7  }
0xc: {  	_ =	strace $0x80000047;
	[dreg:$0x7] =	wrdreg s0;
	s0 =	ssub.s32 s10, s25  }
0xd: {  	s19 =	sadd.s32 s12, s26;
	s6 =	sadd.s32 s6, s16;
	s16 =	simm.s32 $0x200  }
0xe: {  	s8 =	sor.u32 $0x4, s8;
	s13 =	sadd.s32 s3, s9;
	s15 =	sadd.s32 s5, s11  }
0xf: {  	s7 =	sshrl.u32 s7, $0x3;
	s21 =	sshll.u32 s6, $0x4;
	s0 =	smax.u32 s0, $0x1  }
0x10: {  	s25 =	sshll.u32 s6, $0xA;
	s6 =	simm.s32 $0x5;
	s14 =	sshll.u32 s8, $0x4  }
0x11: {  	[dreg:$0xa] =	wrdreg s15;
	s17 =	sadd.s32 $0x80, s13;
	s8 =	sshll.u32 s8, $0xA  }
0x12: {  	[dreg:$0x8] =	wrdreg s13;
	s18 =	sadd.s32 $0xC0, s13;
	s7 =	sadd.s32 s5, s7  }
0x13: {  	[dreg:$0x10] =	wrdreg s0;
	s26 =	sadd.s32 s25, s5;
	s0 =	sshrl.u32 @!p0 s1, $0x3  }
0x14: {  	s25 =	simm.s32 $0x2;
	s9 =	sadd.s32 s3, s14;
	[dreg:$0xb] =	wrdreg s17  }
0x15: {  	s8 =	sadd.s32 s5, s8;
	[dreg:$0xd] =	wrdreg s18;
	s20 =	sadd.s32 $0xC6000, s7  }
0x16: {  	s7 =	sadd.s32 $0xC7000, s7;
	s3 =	sadd.s32 s21, s3;
	[dreg:$0x11] =	wrdreg s0  }
0x17: {  	s14 =	sadd.s32 $0x3000, s26;
	s17 =	simm.s32 $0x1;
	[dreg:$0x9] =	wrdreg s9  }
0x18: {  	s18 =	simm.s32 $0x80;
	s21 =	simm.s32 $0x100;
	[dreg:$0xc] =	wrdreg s8  }
0x19: {  	s26 =	simm.s32 $0x8400;
	s0 =	simm.s32 $0x380;
	[dreg:$0xe] =	wrdreg s20  }
0x1a: {  	s8 =	sor.u32 $0x10000, s19;
	[dreg:$0xf] =	wrdreg s7;
	s23 =	sadd.s32 $0x140, s3  }
0x1b: {  	s24 =	sadd.s32 $0x100, s3;
	s19 =	simm.s32 $0x400;
	s20 =	simm.s32 $0x2400  }
0x1c: {  	s3 =	simm.s32 $0xE400;
	s7 =	simm.s32 $0x4;
	[dreg:$0x5] =	wrdreg s23  }
0x1d: {  	s9 =	simm.s32 $0x0;
	s22 =	sshrl.u32 s8, $0x3;
	[dreg:$0x6] =	wrdreg s24  }
0x1e: {  	s23 =	simm.s32 $0x180;
	s24 =	simm.s32 $0x6400;
	s8 =	simm.s32 $0x6  }
0x1f: {  	s13 =	sadd.s32 s22, s5;
	s22 =	simm.s32 $0x4400;
	s5 =	simm.s32 $0x3  }
.LBB2_1:
0x20: {  	s10 =	rddreg [dreg:$0x7]  }
0x21: {  	s4 =	simm.s32 @!p0 $0x1C07;
	s11 =	rddreg [dreg:$0x11]  }
0x22: {  	[spmem:s11], [sflag:s4] =	dma.local @!p0 [hbm:s10], $0x10008  }
0x23: {  	s4 =	simm.s32 @!p0 $0x7  }
0x24: {  	_ =	swait.ge @!p0 [sflag:s4], $0x10008  }
0x25: {  	[sflag:s4] =	ssyncset.done @!p0 $0x0  }
0x26: {  	[sflag:s4] =	ssyncadd.s32 @!p0 $0xFFFEFFF8  }
0x27: {  	[bflag:$0x0] =	sbarrier.arrive $0xFFFF  }
0x28: {  	s10 =	rddreg [dreg:$0x8]  }
0x29: {  	[tilespmem:s2], [sflag:$0x1] =	stream.linear.gather [hbm4b:s10+s2], $0x200, $0x38;
	[tilespmem:$0x18408] =	vst v63  }
0x2a: {  	s11 =	rddreg [dreg:$0x9]  }
0x2b: {  	[tilespmem:s16], [sflag:$0x2] =	stream.linear.gather [hbm4b:s11+s2], $0x200, $0x38;
	[tilespmem:$0x18408] =	vst v63  }
0x2c: {  	_ =	swait.ge [sflag:s17], $0x200  }
0x2d: {  	[sflag:s17] =	ssyncset.done $0x0  }
0x2e: {  	[sflag:s17] =	ssyncadd.s32 $0xFFFFFE00  }
0x2f: {  	[tilespmem:s19], [sflag:$0x3] =	stream.indirect.gather [spmem:s1], $0x40, s2, s18, $0xb8;
	[tilespmem:$0x18408] =	vst v63  }
0x30: {  	_ = 	snop  }
0x31: {  	[tilespmem:s20], [sflag:$0x3] =	stream.indirect.gather [spmem:s1], $0x40, s18, s18, $0xb8;
	[tilespmem:$0x18408] =	vst v63  }
0x32: {  	_ = 	snop  }
0x33: {  	[tilespmem:s22], [sflag:$0x3] =	stream.indirect.gather [spmem:s1], $0x40, s21, s18, $0xb8;
	[tilespmem:$0x18408] =	vst v63  }
0x34: {  	_ = 	snop  }
0x35: {  	[tilespmem:s24], [sflag:$0x3] =	stream.indirect.gather [spmem:s1], $0x40, s23, s18, $0xb8;
	[tilespmem:$0x18408] =	vst v63  }
0x36: {  	_ =	swait.ge [sflag:s25], $0x200  }
0x37: {  	[sflag:s25] =	ssyncset.done $0x0  }
0x38: {  	[sflag:s25] =	ssyncadd.s32 $0xFFFFFE00  }
0x39: {  	[tilespmem:s26], [sflag:$0x4] =	stream.indirect.gather [spmem:s1], $0x40, s16, s18, $0xb8;
	[tilespmem:$0x18408] =	vst v63  }
0x3a: {  	_ = 	snop  }
0x3b: {  	[tilespmem:s29], [sflag:$0x4] =	stream.indirect.gather [spmem:s1], $0x40, s28, s18, $0xb8;
	[tilespmem:$0x18408] =	vst v63  }
0x3c: {  	_ = 	snop  }
0x3d: {  	[tilespmem:s31], [sflag:$0x4] =	stream.indirect.gather [spmem:s1], $0x40, s30, s18, $0xb8;
	[tilespmem:$0x18408] =	vst v63  }
0x3e: {  	_ = 	snop  }
0x3f: {  	[tilespmem:s3], [sflag:$0x4] =	stream.indirect.gather [spmem:s1], $0x40, s0, s18, $0xb8;
	[tilespmem:$0x18408] =	vst v63  }
0x40: {  	_ =	swait.ge [sflag:s5], $0x2000  }
0x41: {  	[sflag:s5] =	ssyncset.done $0x0  }
0x42: {  	[sflag:s5] =	ssyncadd.s32 $0xFFFFE000  }
0x43: {  	_ =	swait.ge [sflag:s5], $0x2000  }
0x44: {  	[sflag:s5] =	ssyncset.done $0x0  }
0x45: {  	[sflag:s5] =	ssyncadd.s32 $0xFFFFE000  }
0x46: {  	_ =	swait.ge [sflag:s5], $0x2000  }
0x47: {  	[sflag:s5] =	ssyncset.done $0x0  }
0x48: {  	[sflag:s5] =	ssyncadd.s32 $0xFFFFE000  }
0x49: {  	_ =	swait.ge [sflag:s5], $0x2000  }
0x4a: {  	[sflag:s5] =	ssyncset.done $0x0  }
0x4b: {  	s12 =	rddreg [dreg:$0xa];
	[sflag:s5] =	ssyncadd.s32 $0xFFFFE000  }
0x4c: {  	[hbm4b:s12+s2] =	stream.linear.scatter [tilespmem:s19], [sflag:$0x5], $0x8000, $0x38;
	[tilespmem:$0x18408] =	vst v63  }
0x4d: {  	s15 =	rddreg [dreg:$0xb]  }
0x4e: {  	[tilespmem:s2], [sflag:$0x1] =	stream.linear.gather [hbm4b:s15+s2], $0x200, $0x38;
	[tilespmem:$0x18408] =	vst v63  }
0x4f: {  	_ =	swait.ge [sflag:s6], $0x8000  }
0x50: {  	[sflag:s6] =	ssyncset.done $0x0  }
0x51: {  	[sflag:s6] =	ssyncadd.s32 $0xFFFF8000  }
0x52: {  	_ =	swait.ge [sflag:s17], $0x200  }
0x53: {  	[sflag:s17] =	ssyncset.done $0x0  }
0x54: {  	[sflag:s17] =	ssyncadd.s32 $0xFFFFFE00  }
0x55: {  	[tilespmem:s19], [sflag:$0x3] =	stream.indirect.gather [spmem:s1], $0x40, s2, s18, $0xb8;
	[tilespmem:$0x18408] =	vst v63  }
0x56: {  	_ = 	snop  }
0x57: {  	[tilespmem:s20], [sflag:$0x3] =	stream.indirect.gather [spmem:s1], $0x40, s18, s18, $0xb8;
	[tilespmem:$0x18408] =	vst v63  }
0x58: {  	_ = 	snop  }
0x59: {  	[tilespmem:s22], [sflag:$0x3] =	stream.indirect.gather [spmem:s1], $0x40, s21, s18, $0xb8;
	[tilespmem:$0x18408] =	vst v63  }
0x5a: {  	_ = 	snop  }
0x5b: {  	[tilespmem:s24], [sflag:$0x3] =	stream.indirect.gather [spmem:s1], $0x40, s23, s18, $0xb8;
	[tilespmem:$0x18408] =	vst v63  }
0x5c: {  	_ =	swait.ge [sflag:s7], $0x2000  }
0x5d: {  	[sflag:s7] =	ssyncset.done $0x0  }
0x5e: {  	[sflag:s7] =	ssyncadd.s32 $0xFFFFE000  }
0x5f: {  	_ =	swait.ge [sflag:s7], $0x2000  }
0x60: {  	[sflag:s7] =	ssyncset.done $0x0  }
0x61: {  	[sflag:s7] =	ssyncadd.s32 $0xFFFFE000  }
0x62: {  	_ =	swait.ge [sflag:s7], $0x2000  }
0x63: {  	[sflag:s7] =	ssyncset.done $0x0  }
0x64: {  	[sflag:s7] =	ssyncadd.s32 $0xFFFFE000  }
0x65: {  	_ =	swait.ge [sflag:s7], $0x2000  }
0x66: {  	[sflag:s7] =	ssyncset.done $0x0  }
0x67: {  	s10 =	rddreg [dreg:$0xc];
	[sflag:s7] =	ssyncadd.s32 $0xFFFFE000  }
0x68: {  	[hbm4b:s10+s2] =	stream.linear.scatter [tilespmem:s26], [sflag:$0x6], $0x8000, $0x38;
	[tilespmem:$0x18408] =	vst v63  }
0x69: {  	s11 =	rddreg [dreg:$0xd]  }
0x6a: {  	[tilespmem:s16], [sflag:$0x2] =	stream.linear.gather [hbm4b:s11+s2], $0x200, $0x38;
	[tilespmem:$0x18408] =	vst v63  }
0x6b: {  	_ =	swait.ge [sflag:s8], $0x8000  }
0x6c: {  	[sflag:s8] =	ssyncset.done $0x0  }
0x6d: {  	[sflag:s8] =	ssyncadd.s32 $0xFFFF8000  }
0x6e: {  	_ =	swait.ge [sflag:s25], $0x200  }
0x6f: {  	[sflag:s25] =	ssyncset.done $0x0  }
0x70: {  	[sflag:s25] =	ssyncadd.s32 $0xFFFFFE00  }
0x71: {  	[tilespmem:s26], [sflag:$0x4] =	stream.indirect.gather [spmem:s1], $0x40, s16, s18, $0xb8;
	[tilespmem:$0x18408] =	vst v63  }
0x72: {  	_ = 	snop  }
0x73: {  	[tilespmem:s29], [sflag:$0x4] =	stream.indirect.gather [spmem:s1], $0x40, s28, s18, $0xb8;
	[tilespmem:$0x18408] =	vst v63  }
0x74: {  	_ = 	snop  }
0x75: {  	[tilespmem:s31], [sflag:$0x4] =	stream.indirect.gather [spmem:s1], $0x40, s30, s18, $0xb8;
	[tilespmem:$0x18408] =	vst v63  }
0x76: {  	_ = 	snop  }
0x77: {  	[tilespmem:s3], [sflag:$0x4] =	stream.indirect.gather [spmem:s1], $0x40, s0, s18, $0xb8;
	[tilespmem:$0x18408] =	vst v63  }
0x78: {  	_ =	swait.ge [sflag:s5], $0x2000  }
0x79: {  	[sflag:s5] =	ssyncset.done $0x0  }
0x7a: {  	[sflag:s5] =	ssyncadd.s32 $0xFFFFE000  }
0x7b: {  	_ =	swait.ge [sflag:s5], $0x2000  }
0x7c: {  	[sflag:s5] =	ssyncset.done $0x0  }
0x7d: {  	[sflag:s5] =	ssyncadd.s32 $0xFFFFE000  }
0x7e: {  	_ =	swait.ge [sflag:s5], $0x2000  }
0x7f: {  	[sflag:s5] =	ssyncset.done $0x0  }
0x80: {  	[sflag:s5] =	ssyncadd.s32 $0xFFFFE000  }
0x81: {  	_ =	swait.ge [sflag:s5], $0x2000  }
0x82: {  	[sflag:s5] =	ssyncset.done $0x0  }
0x83: {  	s12 =	rddreg [dreg:$0x6];
	[sflag:s5] =	ssyncadd.s32 $0xFFFFE000  }
0x84: {  	[hbm4b:s13+s2] =	stream.linear.scatter [tilespmem:s19], [sflag:$0x5], $0x8000, $0x38;
	[tilespmem:$0x18408] =	vst v63  }
0x85: {  	s4 =	sadd.s32 $0x0, s12  }
0x86: {  	[tilespmem:s2], [sflag:$0x1] =	stream.linear.gather [hbm4b:s4+s2], $0x200, $0x38;
	[tilespmem:$0x18408] =	vst v63  }
0x87: {  	_ =	swait.ge [sflag:s6], $0x8000  }
0x88: {  	[sflag:s6] =	ssyncset.done $0x0  }
0x89: {  	[sflag:s6] =	ssyncadd.s32 $0xFFFF8000  }
0x8a: {  	_ =	swait.ge [sflag:s17], $0x200  }
0x8b: {  	[sflag:s17] =	ssyncset.done $0x0  }
0x8c: {  	[sflag:s17] =	ssyncadd.s32 $0xFFFFFE00  }
0x8d: {  	[tilespmem:s19], [sflag:$0x3] =	stream.indirect.gather [spmem:s1], $0x40, s2, s18, $0xb8;
	[tilespmem:$0x18408] =	vst v63  }
0x8e: {  	_ = 	snop  }
0x8f: {  	[tilespmem:s20], [sflag:$0x3] =	stream.indirect.gather [spmem:s1], $0x40, s18, s18, $0xb8;
	[tilespmem:$0x18408] =	vst v63  }
0x90: {  	_ = 	snop  }
0x91: {  	[tilespmem:s22], [sflag:$0x3] =	stream.indirect.gather [spmem:s1], $0x40, s21, s18, $0xb8;
	[tilespmem:$0x18408] =	vst v63  }
0x92: {  	_ = 	snop  }
0x93: {  	[tilespmem:s24], [sflag:$0x3] =	stream.indirect.gather [spmem:s1], $0x40, s23, s18, $0xb8;
	[tilespmem:$0x18408] =	vst v63  }
0x94: {  	_ =	swait.ge [sflag:s7], $0x2000  }
0x95: {  	[sflag:s7] =	ssyncset.done $0x0  }
0x96: {  	[sflag:s7] =	ssyncadd.s32 $0xFFFFE000  }
0x97: {  	_ =	swait.ge [sflag:s7], $0x2000  }
0x98: {  	[sflag:s7] =	ssyncset.done $0x0  }
0x99: {  	[sflag:s7] =	ssyncadd.s32 $0xFFFFE000  }
0x9a: {  	_ =	swait.ge [sflag:s7], $0x2000  }
0x9b: {  	[sflag:s7] =	ssyncset.done $0x0  }
0x9c: {  	[sflag:s7] =	ssyncadd.s32 $0xFFFFE000  }
0x9d: {  	s10 =	simm.s32 $0x80;
	_ =	swait.ge [sflag:s7], $0x2000  }
0x9e: {  	s11 =	sadd.s32 $0x2000, s13;
	[sflag:s7] =	ssyncset.done $0x0;
	s15 =	rddreg [dreg:$0x5]  }
0x9f: {  	s4 =	sadd.s32 $0x2000, s14;
	[sflag:s7] =	ssyncadd.s32 $0xFFFFE000;
	s12 =	sadd.s32 $0x0, s15  }
0xa0: {  	[hbm4b:s14+s2] =	stream.linear.scatter [tilespmem:s26], [sflag:$0x6], $0x8000, $0x38;
	[tilespmem:$0x18408] =	vst v63  }
.LBB2_2:
0xa1: {  	[tilespmem:s16], [sflag:$0x2] =	stream.linear.gather [hbm4b:s12+s2], $0x200, $0x38;
	[tilespmem:$0x18408] =	vst v63  }
0xa2: {  	_ =	swait.ge [sflag:s8], $0x8000  }
0xa3: {  	[sflag:s8] =	ssyncset.done $0x0  }
0xa4: {  	[sflag:s8] =	ssyncadd.s32 $0xFFFF8000  }
0xa5: {  	_ =	swait.ge [sflag:s25], $0x200  }
0xa6: {  	[sflag:s25] =	ssyncset.done $0x0  }
0xa7: {  	[sflag:s25] =	ssyncadd.s32 $0xFFFFFE00  }
0xa8: {  	[tilespmem:s26], [sflag:$0x4] =	stream.indirect.gather [spmem:s1], $0x40, s16, s18, $0xb8;
	[tilespmem:$0x18408] =	vst v63  }
0xa9: {  	_ = 	snop  }
0xaa: {  	[tilespmem:s29], [sflag:$0x4] =	stream.indirect.gather [spmem:s1], $0x40, s28, s18, $0xb8;
	[tilespmem:$0x18408] =	vst v63  }
0xab: {  	_ = 	snop  }
0xac: {  	[tilespmem:s31], [sflag:$0x4] =	stream.indirect.gather [spmem:s1], $0x40, s30, s18, $0xb8;
	[tilespmem:$0x18408] =	vst v63  }
0xad: {  	_ = 	snop  }
0xae: {  	[tilespmem:s3], [sflag:$0x4] =	stream.indirect.gather [spmem:s1], $0x40, s0, s18, $0xb8;
	[tilespmem:$0x18408] =	vst v63  }
0xaf: {  	_ =	swait.ge [sflag:s5], $0x2000  }
0xb0: {  	[sflag:s5] =	ssyncset.done $0x0  }
0xb1: {  	[sflag:s5] =	ssyncadd.s32 $0xFFFFE000  }
0xb2: {  	_ =	swait.ge [sflag:s5], $0x2000  }
0xb3: {  	[sflag:s5] =	ssyncset.done $0x0  }
0xb4: {  	[sflag:s5] =	ssyncadd.s32 $0xFFFFE000  }
0xb5: {  	_ =	swait.ge [sflag:s5], $0x2000  }
0xb6: {  	[sflag:s5] =	ssyncset.done $0x0  }
0xb7: {  	[sflag:s5] =	ssyncadd.s32 $0xFFFFE000  }
0xb8: {  	_ =	swait.ge [sflag:s5], $0x2000  }
0xb9: {  	[sflag:s5] =	ssyncset.done $0x0  }
0xba: {  	s12 =	smov.u32 s10;
	s15 =	rddreg [dreg:$0x6];
	[sflag:s5] =	ssyncadd.s32 $0xFFFFE000  }
0xbb: {  	[hbm4b:s11+s2] =	stream.linear.scatter [tilespmem:s19], [sflag:$0x5], $0x8000, $0x38;
	[tilespmem:$0x18408] =	vst v63  }
0xbc: {  	s15 =	sadd.s32 s12, s15  }
0xbd: {  	[tilespmem:s2], [sflag:$0x1] =	stream.linear.gather [hbm4b:s15+s2], $0x200, $0x38;
	[tilespmem:$0x18408] =	vst v63  }
0xbe: {  	_ =	swait.ge [sflag:s6], $0x8000  }
0xbf: {  	[sflag:s6] =	ssyncset.done $0x0  }
0xc0: {  	[sflag:s6] =	ssyncadd.s32 $0xFFFF8000  }
0xc1: {  	_ =	swait.ge [sflag:s17], $0x200  }
0xc2: {  	[sflag:s17] =	ssyncset.done $0x0  }
0xc3: {  	[sflag:s17] =	ssyncadd.s32 $0xFFFFFE00  }
0xc4: {  	[tilespmem:s19], [sflag:$0x3] =	stream.indirect.gather [spmem:s1], $0x40, s2, s18, $0xb8;
	[tilespmem:$0x18408] =	vst v63  }
0xc5: {  	_ = 	snop  }
0xc6: {  	[tilespmem:s20], [sflag:$0x3] =	stream.indirect.gather [spmem:s1], $0x40, s18, s18, $0xb8;
	[tilespmem:$0x18408] =	vst v63  }
0xc7: {  	_ = 	snop  }
0xc8: {  	[tilespmem:s22], [sflag:$0x3] =	stream.indirect.gather [spmem:s1], $0x40, s21, s18, $0xb8;
	[tilespmem:$0x18408] =	vst v63  }
0xc9: {  	_ = 	snop  }
0xca: {  	[tilespmem:s24], [sflag:$0x3] =	stream.indirect.gather [spmem:s1], $0x40, s23, s18, $0xb8;
	[tilespmem:$0x18408] =	vst v63  }
0xcb: {  	_ =	swait.ge [sflag:s7], $0x2000  }
0xcc: {  	[sflag:s7] =	ssyncset.done $0x0  }
0xcd: {  	[sflag:s7] =	ssyncadd.s32 $0xFFFFE000  }
0xce: {  	_ =	swait.ge [sflag:s7], $0x2000  }
0xcf: {  	[sflag:s7] =	ssyncset.done $0x0  }
0xd0: {  	[sflag:s7] =	ssyncadd.s32 $0xFFFFE000  }
0xd1: {  	_ =	swait.ge [sflag:s7], $0x2000  }
0xd2: {  	[sflag:s7] =	ssyncset.done $0x0  }
0xd3: {  	p1 =	sne.s32 s10, $0x3080;
	[sflag:s7] =	ssyncadd.s32 $0xFFFFE000  }
.Ltmp0:
0xd4: {  	_ =	swait.ge [sflag:s7], $0x2000;
	(pc) =	sbr.rel @p1 .LBB2_2-.Ltmp0, $4  }
0xd5: {  	[sflag:s7] =	ssyncset.done $0x0  }
0xd6: {  	s10 =	sadd.s32 $0x80, s10;
	s15 =	rddreg [dreg:$0x5];
	[sflag:s7] =	ssyncadd.s32 $0xFFFFE000  }
0xd7: {  	[hbm4b:s4+s2] =	stream.linear.scatter [tilespmem:s26], [sflag:$0x6], $0x8000, $0x38;
	[tilespmem:$0x18408] =	vst v63  }
0xd8: {  	s11 =	sadd.s32 $0x2000, s11;
	s12 =	sadd.s32 s12, s15;
	s4 =	sadd.s32 $0x2000, s4  }
0xd9: {  	[tilespmem:s16], [sflag:$0x2] =	stream.linear.gather [hbm4b:s12+s2], $0x200, $0x38;
	[tilespmem:$0x18408] =	vst v63  }
0xda: {  	_ =	swait.ge [sflag:s8], $0x8000  }
0xdb: {  	[sflag:s8] =	ssyncset.done $0x0  }
0xdc: {  	[sflag:s8] =	ssyncadd.s32 $0xFFFF8000  }
0xdd: {  	_ =	swait.ge [sflag:s25], $0x200  }
0xde: {  	[sflag:s25] =	ssyncset.done $0x0  }
0xdf: {  	[sflag:s25] =	ssyncadd.s32 $0xFFFFFE00  }
0xe0: {  	[tilespmem:s26], [sflag:$0x4] =	stream.indirect.gather [spmem:s1], $0x40, s16, s18, $0xb8;
	[tilespmem:$0x18408] =	vst v63  }
0xe1: {  	_ = 	snop  }
0xe2: {  	[tilespmem:s29], [sflag:$0x4] =	stream.indirect.gather [spmem:s1], $0x40, s28, s18, $0xb8;
	[tilespmem:$0x18408] =	vst v63  }
0xe3: {  	_ = 	snop  }
0xe4: {  	[tilespmem:s31], [sflag:$0x4] =	stream.indirect.gather [spmem:s1], $0x40, s30, s18, $0xb8;
	[tilespmem:$0x18408] =	vst v63  }
0xe5: {  	_ = 	snop  }
0xe6: {  	[tilespmem:s3], [sflag:$0x4] =	stream.indirect.gather [spmem:s1], $0x40, s0, s18, $0xb8;
	[tilespmem:$0x18408] =	vst v63  }
0xe7: {  	_ =	swait.ge [sflag:s5], $0x2000  }
0xe8: {  	[sflag:s5] =	ssyncset.done $0x0  }
0xe9: {  	[sflag:s5] =	ssyncadd.s32 $0xFFFFE000  }
0xea: {  	_ =	swait.ge [sflag:s5], $0x2000  }
0xeb: {  	[sflag:s5] =	ssyncset.done $0x0  }
0xec: {  	[sflag:s5] =	ssyncadd.s32 $0xFFFFE000  }
0xed: {  	_ =	swait.ge [sflag:s5], $0x2000  }
0xee: {  	[sflag:s5] =	ssyncset.done $0x0  }
0xef: {  	[sflag:s5] =	ssyncadd.s32 $0xFFFFE000  }
0xf0: {  	_ =	swait.ge [sflag:s5], $0x2000  }
0xf1: {  	[sflag:s5] =	ssyncset.done $0x0  }
0xf2: {  	s4 =	rddreg [dreg:$0xe];
	[sflag:s5] =	ssyncadd.s32 $0xFFFFE000  }
0xf3: {  	[hbm4b:s4+s2] =	stream.linear.scatter [tilespmem:s19], [sflag:$0x5], $0x8000, $0x38;
	[tilespmem:$0x18408] =	vst v63  }
0xf4: {  	_ =	swait.ge [sflag:s7], $0x2000  }
0xf5: {  	[sflag:s7] =	ssyncset.done $0x0  }
0xf6: {  	[sflag:s7] =	ssyncadd.s32 $0xFFFFE000  }
0xf7: {  	_ =	swait.ge [sflag:s7], $0x2000  }
0xf8: {  	[sflag:s7] =	ssyncset.done $0x0  }
0xf9: {  	[sflag:s7] =	ssyncadd.s32 $0xFFFFE000  }
0xfa: {  	_ =	swait.ge [sflag:s7], $0x2000  }
0xfb: {  	[sflag:s7] =	ssyncset.done $0x0  }
0xfc: {  	[sflag:s7] =	ssyncadd.s32 $0xFFFFE000  }
0xfd: {  	_ =	swait.ge [sflag:s7], $0x2000  }
0xfe: {  	[sflag:s7] =	ssyncset.done $0x0  }
0xff: {  	s12 =	rddreg [dreg:$0xf];
	[sflag:s7] =	ssyncadd.s32 $0xFFFFE000  }
0x100: {  	[hbm4b:s12+s2] =	stream.linear.scatter [tilespmem:s26], [sflag:$0x6], $0x8000, $0x38;
	[tilespmem:$0x18408] =	vst v63  }
0x101: {  	_ =	swait.ge [sflag:s6], $0x8000  }
0x102: {  	[sflag:s6] =	ssyncset.done $0x0  }
0x103: {  	[sflag:s6] =	ssyncadd.s32 $0xFFFF8000  }
0x104: {  	_ =	swait.ge [sflag:s8], $0x8000  }
0x105: {  	s9 =	sadd.s32 $0x1, s9;
	s15 =	rddreg [dreg:$0x10]  }
0x106: {  	p1 =	sne.s32 s9, s15  }
.Ltmp1:
0x107: {  	_ = 	snop;
	(pc) =	sbr.rel @p1 .LBB2_1-.Ltmp1, $3  }
0x108: {  	_ =	sdelay $0x1  }
0x109: {  	[sflag:s8] =	ssyncset.done $0x0  }
0x10a: {  	[sflag:s8] =	ssyncadd.s32 $0xFFFF8000  }
0x10b: {  	_ =	sfence.sel $0x180000  }
0x10c: {  	[bflag:$0x0] =	sbarrier.arrive $0xFFFF  }
0x10d: {  	_ =	strace $0x90000047  }
0x10e: {  	[bflag:$0x2] =	sbarrier.arrive $0xFFFF  }
0x10f: {  	s0 =	rddreg [dreg:$0x4]  }
0x110: {  	s0 =	sadd.s32 @!p0 $0x100000, s0  }
0x111: {  	[sflag:s0] =	ssyncadd.tile.s32 @!p0 $0x1;
	_ =	shalt  }
.Lfunc_end2:
_tile_overlayer_lowered:
.L_overlay_start_2:
0x112: {  	(tag) =	ssettag $0x2  }
0x113: {  	s0 =	rddreg [dreg:$0x0];
	s2 =	stileid.u32  }
0x114: {  	s1 =	rddreg [dreg:$0x1];
	p0 =	sne.s32 s2, $0x0  }
0x115: {  	s3 =	rddreg [dreg:$0x2];
	[bflag:$0x3] =	sbarrier.arrive $0xFFFF;
	s2 =	simm.s32 @!p0 $0x1C07  }
0x116: {  	[timem:s3], [sflag:s2] =	dma.local @!p0 [hbm:s0], s1  }
0x117: {  	s0 =	simm.s32 @!p0 $0x7  }
0x118: {  	_ =	swait.ge @!p0 [sflag:s0], s1  }
0x119: {  	s1 =	ssub.s32 @!p0 $0x0, s1;
	[sflag:s0] =	ssyncset.done @!p0 $0x0  }
0x11a: {  	[sflag:s0] =	ssyncadd.s32 @!p0 s1  }
0x11b: {  	[bflag:$0x3] =	sbarrier.arrive $0xFFFF  }
0x11c: {  	_ =	shalt  }

// kernel: sparse-core-data-format-call.cloned.1.call-start
scs
called_computation_lowered:
.L_overlay_start_0:
0x0: {  	s2 =	sld [smem:$0x3FD9]  }
0x1: {  	s3 =	sld [smem:$0x3FFE];
	_ =	sdelay $0x1  }
0x2: {  	s1 =	srdreg.scid  }
0x3: {  	s0 =	sand.u32 $0x1, s1  }
0x4: {  	s18 =	sshll.u32 s0, $0xA;
	s2 =	sadd.s32 s3, s2  }
0x5: {  	s2 =	sadd.s32 s2, s18  }
0x6: {  	[smem:$0x3FC6] =	sst s2  }
0x7: {  	_ = 	snop  }
0x8: {  	s2 =	sld [smem:$0x3FD0];
	(tm) =	ssettm $0x1  }
0x9: {  	s19 =	sld [smem:$0x3FFB];
	_ =	sdelay $0x3  }
0xa: {  	_ =	strace s19  }
0xb: {  	s3 =	sld [smem:$0x3FFC];
	_ =	sdelay $0x3  }
0xc: {  	_ =	strace s3  }
0xd: {  	s3 =	sld [smem:$0x3FFD];
	_ =	sdelay $0x3  }
0xe: {  	_ =	strace s3  }
0xf: {  	_ =	strace $0x8FFFFFFF  }
0x10: {  	s20 =	sld [smem:$0x3FDB];
	_ =	sdelay $0x1  }
0x11: {  	s4 =	simm.s32 $_scs_section_size  }
0x12: {  	s5 =	simm.s32 $_size__tile_overlayer_lowered;
	s6 =	simm.s32 $_tile_overlayer_lowered  }
0x13: {  	s23 =	simm.s32 $0x1BFF;
	s22 =	sshll.u32 s6, $0x1;
	s3 =	sadd.s32 s4, s20  }
0x14: {  	s7 =	simm.s32 $0x0;
	s21 =	sshll.u32 s5, $0x1;
	s5 =	sadd.s32 s22, s3  }
0x15: {  	[timem:s7], [sflag:s23] =	dma.local [hbm:s5], s21  }
0x16: {  	_ =	swait.ge [sflag:s23], s21  }
0x17: {  	s4 =	ssub.s32 $0x0, s21;
	[sflag:s23] =	ssyncset.done $0x0  }
0x18: {  	[sflag:s23] =	ssyncadd.s32 s4;
	_ =	sdelay $0x1  }
0x19: {  	s24 =	simm.s32 $0x1B8B  }
0x1a: {  	_ =	swait.ge [sflag:s24], $0x1  }
0x1b: {  	[sflag:s24] =	ssyncset.done $0x0  }
0x1c: {  	s26 =	simm.s32 $0x1B8E;
	s25 =	sld [smem:$0x3FFE];
	[sflag:s24] =	ssyncadd.s32 $0xFFFFFFFF  }
0x1d: {  	s27 =	simm.s32 $execute0_lowered;
	[smem:$0x3FD2] =	sst s26  }
0x1e: {  	s5 =	sshll.u32 s27, $0x1;
	_ =	strace $0x80000049;
	[dreg:$0x1] =	wrdreg $0xFFFFFFFF  }
0x1f: {  	s28 =	simm.s32 $_size_execute0_lowered;
	s3 =	sadd.s32 s3, s5;
	[dreg:$0x0] =	wrdreg $0x0  }
0x20: {  	s5 =	sshll.u32 s28, $0x1;
	[dreg:$0x2] =	wrdreg s3  }
0x21: {  	[dreg:$0x3] =	wrdreg s5  }
0x22: {  	[dreg:$0x4] =	wrdreg $0xC0  }
0x23: {  	_ =	task [dreg:s7], $0x5FFFF  }
0x24: {  	[dreg:$0x1] =	wrdreg $0xFFFFFFFF  }
0x25: {  	[dreg:$0x0] =	wrdreg $0x60  }
0x26: {  	[dreg:$0x2] =	wrdreg s25  }
0x27: {  	[dreg:$0x3] =	wrdreg s2  }
0x28: {  	[dreg:$0x4] =	wrdreg $0x9  }
0x29: {  	_ =	task.clear_ibuf [dreg:s7], $0x5FFFF;
	_ =	strace $0x90000049  }
0x2a: {  	s29 =	simm.s32 $0x9;
	_ =	strace $0x8000004B  }
0x2b: {  	_ =	swait.ge [sflag:s29], $0x1  }
0x2c: {  	[sflag:s29] =	ssyncadd.s32 $0xFFFFFFFF  }
0x2d: {  	_ =	strace $0x9000004B  }
0x2e: {  	_ =	sfence  }
0x2f: {  	s30 =	sld [smem:$0x0];
	_ =	sdelay $0x2  }
0x30: {  	s31 =	sshll.u32 s1, $0xD;
	s1 =	sshrl.u32 s1, $0x2  }
0x31: {  	s3 =	sand.u32 $0x4000, s31;
	s1 =	sadd.s32 s1, s30  }
0x32: {  	s0 =	sor.u32 s3, s0;
	s1 =	sshll.u32 s1, $0x11  }
0x33: {  	s0 =	sor.u32 s1, s0  }
0x34: {  	s0 =	sadd.s32 $0x8F2B, s0  }
0x35: {  	[sflag:s0] =	ssyncadd.remote.s32 $0x1  }
0x36: {  	_ =	sfence.sel $0xFFFF  }
0x37: {  	[dreg:$0x0] =	wrdreg $0xFFFFFFFF;
	(pc) =	sbr.abs _section_cstart, $3  }
0x38: {  	[dreg:$0x1] =	wrdreg $0xFFFFFFFF  }
0x39: {  	_ =	task.clear_ibuf [dreg:s7], $0x2FFFF;
	_ =	strace $0x9FFFFFFF  }
0x3a: {  	(tm) =	ssettm $0x7FFFFFFF  }
0x3b: {  	_ =	shalt  }
tec
execute0_lowered:
.L_overlay_start_1:
0x0: {  	(tag) =	ssettag $0x1  }
0x1: {  	s0 =	srdreg.scid  }
0x2: {  	s1 =	sshll.u32 s0, $0x4  }
0x3: {  	s4 =	rddreg [dreg:$0x0];
	s0 =	stileid.u32;
	s1 =	sand.u32 $0x10, s1  }
0x4: {  	s2 =	rddreg [dreg:$0x1];
	s7 =	simm.s32 $0x1;
	s1 =	sor.u32 s0, s1  }
0x5: {  	s8 =	simm.s32 $0x2;
	s11 =	simm.s32 $0x0;
	s3 =	sshll.u32 s1, $0x1  }
0x6: {  	s10 =	simm.s32 $0x0;
	s4 =	sadd.s32 $0x800, s4;
	s6 =	ssub.s32 $0x6400, s3  }
.Ltmp0:
0x7: {  	s1 =	rddreg [dreg:$0x2];
	s5 =	sand.u32 $0x3E, s6;
	(pc) =	sbr.rel .LBB1_1-.Ltmp0, $4  }
0x8: {  	_ =	strace $0x8000004A;
	s9 =	smov.u32 s3;
	p0 =	sne.s32 s5, $0x0  }
0x9: {  	s6 =	sshrl.u32 s6, $0x6;
	s5 =	simm.s32 $0x1;
	s7 =	simm.s32 @!p0 $0x0  }
0xa: {  	[sflag:s5] =	ssyncpa.u1 $0x0;
	p0 =	por $0x0, $0x0;
	s6 =	sadd.s32 s7, s6  }
0xb: {  	[sflag:s8] =	ssyncpa.u1 $0x0;
	s8 =	simm.s32 $0x0;
	s7 =	sadd.s32 $0x1, s6  }
.LBB1_7:
0xc: {  	s13 =	sadd.s32 $0x40, s9  }
0xd: {  	p2 =	sgt.s32 s13, $0x63FF  }
0xe: {  	s13 =	smov.u32 @p2 s3;
	p2 =	sne.s32 s10, s7  }
.Ltmp1:
0xf: {  	p1 =	slt.u32 s10, $0x2;
	(pc) =	sbr.rel @!p2 .LBB1_8-.Ltmp1, $4  }
0x10: {  	s12 =	simm.s32 @!p1 $0x2  }
0x11: {  	s14 =	sadd.s32 $0x1, s10;
	_ =	swait.ge @!p1 [sflag:s12], $0x4000  }
0x12: {  	s11 =	smov.u32 s9;
	p0 =	por !p0, !p0;
	[sflag:s12] =	ssyncset.done @!p1 $0x0  }
0x13: {  	s10 =	smov.u32 s14;
	s9 =	smov.u32 s13;
	[sflag:s12] =	ssyncadd.s32 @!p1 $0xFFFFC000  }
.LBB1_1:
0x14: {  	p1 =	sge.u32 s10, s6  }
0x15: {  	s31 =	sadd.s32 $0xFFFFFFFF, s10;
	s12 =	sxor.u32 @!p1 $0xFFFFFFFF, s10  }
0x16: {  	s13 =	sshll.u32 @!p1 s9, $0xB;
	s14 =	simm.s32 @!p1 $0x40;
	s12 =	sshll.u32 @!p1 s12, $0xE  }
0x17: {  	s15 =	simm.s32 @!p1 $0x80;
	s13 =	sadd.s32 @!p1 s4, s13;
	s12 =	sand.u32 @!p1 $0x4000, s12  }
0x18: {  	[tilespmem:s12], [sflag:$0x1] =	stream.strided.gather @!p1 [hbm4b:s13+s14], $0x4000, s15, s14, $0x38;
	[tilespmem:$0x10100] =	vst v63  }
0x19: {  	p1 =	sge.u32 s31, s6  }
.Ltmp2:
0x1a: {  	_ = 	snop;
	(pc) =	sbr.rel @p1 .LBB1_7-.Ltmp2, $1  }
0x1b: {  	_ =	sdelay $0x3  }
0x1c: {  	s12 =	simm.s32 $0x1;
	s14 =	sand.u32 $0x1, s10  }
0x1d: {  	_ =	swait.ge [sflag:s5], $0x4000;
	s12 =	simm.s32 @!p0 $0x0;
	s14 =	smul.u32 $0x10200, s14  }
0x1e: {  	p2 =	por $0x1, $0x1;
	[sflag:s5] =	ssyncset.done $0x0;
	s13 =	smul.u32 $0x10200, s12  }
0x1f: {  	s15 =	sshll.u32 s12, $0x10;
	[sflag:s5] =	ssyncadd.s32 $0xFFFFC000;
	s30 =	sshrl.u32 s14, $0x2  }
0x20: {  	s31 =	sshrl.u32 s15, $0x2;
	s15 =	simm.s32 $0x0;
	s13 =	sshrl.u32 s13, $0x2  }
0x21: {  	s12 =	sor.u32 $0x8000, s30;
	s14 =	sadd.s32 $0x20, s31;
	s13 =	sor.u32 $0x8000, s13  }
.LBB1_3:
0x22: {  	s16 =	sshll.u32 s15, $0xD  }
0x23: {  	s16 =	sand.u32 $0x3FFFE000, s16  }
0x24: {  	s18 =	sadd.s32 s16, s14  }
0x25: {  	s31 =	smul.u32 $0x8100, s15;
	v3 =	vld [tilespmem:s18+$0x10]  }
0x26: {  	v1 =	vld [tilespmem:s18+$0xFFFFFFF0]  }
0x27: {  	s15 =	sshra.s32 s31, $0x2;
	v0 =	vld [tilespmem:s18+$0x0]  }
0x28: {  	s15 =	sadd.s32 s15, s13;
	v2 =	vld [tilespmem:s18+$0xFFFFFFE0]  }
0x29: {  	s16 =	sadd.s32 $0x0, s15  }
0x2a: {  	p1 =	por p2, p2;
	s17 =	simm.s32 $0x4;
	s18 =	sadd.s32 $0x40, s18;
	[tilespmem:s16+$0x1830 ss:$0x81] =	vst.msk $0xffff, v3  }
.LBB1_4:
0x2b: {  	v3 =	vld [tilespmem:s18+$0x10];
	p2 =	sne.s32 s17, $0x1FC;
	[tilespmem:s16+$0x810 ss:$0x81] =	vst.msk $0xffff, v1;
	s19 =	smov.u32 s17;
	s17 =	sadd.s32 $0x4, s17  }
.Ltmp3:
0x2c: {  	v1 =	vld [tilespmem:s18+$0xFFFFFFF0];
	[tilespmem:s16+$0x1020 ss:$0x81] =	vst.msk $0xffff, v0;
	(pc) =	sbr.rel @p2 .LBB1_4-.Ltmp3, $4  }
0x2d: {  	v0 =	vld [tilespmem:s18+$0x0];
	[tilespmem:s16+$0x0 ss:$0x81] =	vst.msk $0xffff, v2  }
0x2e: {  	s16 =	sshra.s32 s19, $0x2;
	v2 =	vld [tilespmem:s18+$0xFFFFFFE0]  }
0x2f: {  	s16 =	sadd.s32 s16, s15  }
0x30: {  	s18 =	sadd.s32 $0x40, s18;
	[tilespmem:s16+$0x1830 ss:$0x81] =	vst.msk $0xffff, v3  }
.Ltmp4:
0x31: {  	(pc) =	sbr.rel @p1 .LBB1_3-.Ltmp4, $4  }
0x32: {  	_ = 	snop  }
0x33: {  	[tilespmem:s16+$0x810 ss:$0x81] =	vst.msk $0xffff, v1  }
0x34: {  	[tilespmem:s16+$0x1020 ss:$0x81] =	vst.msk $0xffff, v0  }
0x35: {  	s15 =	simm.s32 $0x1;
	p2 =	por $0x0, $0x0;
	[tilespmem:s16+$0x0 ss:$0x81] =	vst.msk $0xffff, v2  }
.Ltmp5:
0x36: {  	(pc) =	sbr.rel .LBB1_7-.Ltmp5, $4  }
0x37: {  	_ = 	snop  }
0x38: {  	s11 =	sshll.u32 s11, $0xA  }
0x39: {  	s11 =	sadd.s32 s2, s11  }
0x3a: {  	[hbm4b:s11+s8] =	stream.linear.scatter [tilespmem:s12], [sflag:$0x2], $0x4000, $0x20;
	[tilespmem:$0x10100] =	vst v63  }
.LBB1_8:
0x3b: {  	_ =	sfence.sel $0x180000  }
0x3c: {  	s2 =	simm.s32 $0x1;
	[bflag:$0x0] =	sbarrier.arrive $0xFFFF  }
0x3d: {  	s31 =	simm.s32 $0x2;
	[sflag:s2] =	ssyncpa.u1 $0x1  }
0x3e: {  	[sflag:s31] =	ssyncpa.u1 $0x1  }
0x3f: {  	p0 =	sne.s32 s0, $0x0;
	_ =	strace $0x9000004A  }
0x40: {  	s0 =	sadd.s32 @!p0 $0x100000, s1;
	[bflag:$0x2] =	sbarrier.arrive $0xFFFF  }
0x41: {  	[sflag:s0] =	ssyncadd.tile.s32 @!p0 $0x1;
	_ =	shalt  }
.Lfunc_end1:
_tile_overlayer_lowered:
.L_overlay_start_2:
0x42: {  	(tag) =	ssettag $0x2  }
0x43: {  	s0 =	rddreg [dreg:$0x0];
	s2 =	stileid.u32  }
0x44: {  	s1 =	rddreg [dreg:$0x1];
	p0 =	sne.s32 s2, $0x0  }
0x45: {  	s3 =	rddreg [dreg:$0x2];
	[bflag:$0x3] =	sbarrier.arrive $0xFFFF;
	s2 =	simm.s32 @!p0 $0x1C01  }
0x46: {  	[timem:s3], [sflag:s2] =	dma.local @!p0 [hbm:s0], s1  }
0x47: {  	s0 =	simm.s32 @!p0 $0x1  }
0x48: {  	_ =	swait.ge @!p0 [sflag:s0], s1  }
0x49: {  	s1 =	ssub.s32 @!p0 $0x0, s1;
	[sflag:s0] =	ssyncset.done @!p0 $0x0  }
0x4a: {  	[sflag:s0] =	ssyncadd.s32 @!p0 s1  }
0x4b: {  	[bflag:$0x3] =	sbarrier.arrive $0xFFFF  }
0x4c: {  	_ =	shalt  }

</sc_bundles>
